<compile_context>
chip_gen: v7x
topology: tpu7x:2x2x1
jax: 0.10.2.dev20260603
libtpu: 0.0.44.dev20260713+nightly
codegen_flags: <defaults>
</compile_context>

<pallas_src>
import functools

import jax
import jax.numpy as jnp
from jax import lax
from jax.experimental import pallas as pl
from jax.experimental.pallas import tpu as pltpu
from jax.experimental.pallas import tpu_sc as plsc

B, K, H, W = 1024, 17, 64, 64
THRESHOLD = 0.4
N = B * K
NBLK = K * (B // 128)
PB = 5

_mesh = plsc.VectorSubcoreMesh(core_axis_name="c", subcore_axis_name="s")


@functools.partial(
    pl.kernel,
    mesh=_mesh,
    out_type=jax.ShapeDtypeStruct((N * 2,), jnp.float32),
    scratch_types=[
        pltpu.VMEM((PB * 768,), jnp.float32),
        pltpu.VMEM((PB * 128,), jnp.int32),
        pltpu.SemaphoreType.DMA,
        pltpu.SemaphoreType.DMA,
        pltpu.SemaphoreType.DMA,
    ],
)
def _vis_kernel(cv_hbm, heat_hbm, out_hbm, fbuf, idxb, isem, gsem, osem):
    cbuf = fbuf.at[pl.ds(0, PB * 256)]
    valb = fbuf.at[pl.ds(PB * 256, PB * 128)]
    vbuf = fbuf.at[pl.ds(PB * 384, PB * 128)]
    obuf = fbuf.at[pl.ds(PB * 512, PB * 256)]
    wid = lax.axis_index("s") * 2 + lax.axis_index("c")
    lo = wid * 4 + jnp.minimum(wid, 8)
    cnt = 4 + (wid < 8).astype(jnp.int32)
    lanes = lax.iota(jnp.int32, 16)

    def fire_in(i, carry):
        pltpu.async_copy(
            cv_hbm.at[pl.ds((lo + i) * 256, 256)],
            cbuf.at[pl.ds(i * 256, 256)],
            isem,
        )
        return carry

    lax.fori_loop(0, cnt, fire_in, 0)

    def idx_block(i, carry):
        pltpu.make_async_copy(
            cv_hbm.at[pl.ds((lo + i) * 256, 256)],
            cbuf.at[pl.ds(i * 256, 256)],
            isem,
        ).wait()
        blk = lo + i
        k = blk >> 3
        b1 = blk & 7
        base = k * 4194304 + b1 * 1024

        def grp(g, c2):
            x = cbuf[pl.ds(i * 256 + g * 16, 16)]
            y = cbuf[pl.ds(i * 256 + 128 + g * 16, 16)]
            u = (x * 32.0 + 32.0).astype(jnp.int32)
            v = (y * 32.0 + 32.0).astype(jnp.int32)
            valid = (v < H) & (u < W)
            uc = jnp.minimum(u, W - 1)
            vc = jnp.minimum(v, H - 1)
            p = base + (vc << 16) + ((uc >> 3) << 13) + ((uc & 7) << 7) \
                + g * 16 + lanes
            idxb[pl.ds(i * 128 + g * 16, 16)] = p
            valb[pl.ds(i * 128 + g * 16, 16)] = jnp.where(valid, 1.0, 0.0)
            return c2

        def grp2(h, c2):
            grp(h * 2, c2)
            grp(h * 2 + 1, c2)
            return c2

        lax.fori_loop(0, 4, grp2, 0)
        pltpu.async_copy(
            heat_hbm.at[idxb.at[pl.ds(i * 128, 128)]],
            vbuf.at[pl.ds(i * 128, 128)],
            gsem,
        )
        return carry

    lax.fori_loop(0, cnt, idx_block, 0)

    def mask_block(i, carry):
        pltpu.make_async_copy(
            heat_hbm.at[idxb.at[pl.ds(i * 128, 128)]],
            vbuf.at[pl.ds(i * 128, 128)],
            gsem,
        ).wait()

        def grp(g, c2):
            vals = vbuf[pl.ds(i * 128 + g * 16, 16)]
            va = valb[pl.ds(i * 128 + g * 16, 16)]
            m = jnp.where(vals > THRESHOLD, va, 0.0)
            obuf[pl.ds(i * 256 + g * 16, 16)] = m
            obuf[pl.ds(i * 256 + 128 + g * 16, 16)] = m
            return c2

        def grp2(h, c2):
            grp(h * 2, c2)
            grp(h * 2 + 1, c2)
            return c2

        lax.fori_loop(0, 4, grp2, 0)
        pltpu.async_copy(
            obuf.at[pl.ds(i * 256, 256)],
            out_hbm.at[pl.ds((lo + i) * 256, 256)],
            osem,
        )
        return carry

    lax.fori_loop(0, cnt, mask_block, 0)

    def drain_out(i, carry):
        pltpu.make_async_copy(
            obuf.at[pl.ds(i * 256, 256)],
            out_hbm.at[pl.ds((lo + i) * 256, 256)],
            osem,
        ).wait()
        return carry

    lax.fori_loop(0, cnt, drain_out, 0)


@jax.jit
def kernel(coords, heatmaps):
    cv = (
        coords.transpose(1, 2, 0)
        .reshape(K, 2, 8, 128)
        .transpose(0, 2, 1, 3)
        .reshape(-1)
    )
    hp = (
        heatmaps.transpose(1, 2, 3, 0)
        .reshape(K, H, 8, 8, 8, 128)
        .transpose(0, 1, 2, 4, 3, 5)
        .reshape(-1)
    )
    flat = _vis_kernel(cv, hp)
    return (
        flat.reshape(K, 8, 2, 128)
        .transpose(1, 3, 0, 2)
        .reshape(B, K, 2)
    )

# --- scband reference (transcript-rebuilt; emitter-appended) ---
"""Pipeline reference for scband-visibility-heatmap-15599321219641 (READ-ONLY COPY).

The authoritative reference and input builder live on the scoring server;
editing this copy changes nothing except your own understanding.
"""

import jax, jax.numpy as jnp
import numpy as np

B, K, H, W = 1024, 17, 64, 64
WIDTH = 64
HEIGHT = 64
THRESHOLD = 0.4


def setup_inputs(seed: int = 0) -> dict:
    key = jax.random.key(seed)
    k1, k2 = jax.random.split(key)
    coords = jax.random.uniform(k1, (B, K, 2), dtype=jnp.float32)
    heatmaps = jax.random.uniform(k2, (B, K, H, W), dtype=jnp.float32)
    return {"coords": coords, "heatmaps": heatmaps}


def reference(coords, heatmaps):
    # coord_type == 'ndc': map [-1, 1] -> pixel coords
    u = (coords[..., 0] + 1.0) / 2.0 * WIDTH
    v = (coords[..., 1] + 1.0) / 2.0 * HEIGHT
    # torch .long() truncates toward zero; astype(int32) matches for these ranges
    ui = u.astype(jnp.int32)
    vi = v.astype(jnp.int32)
    Hh = heatmaps.shape[-2]
    Ww = heatmaps.shape[-1]
    # coords.flip(-1) means index heatmap[b, i] at (v, u) = (row, col)
    valid = (vi > -1) & (ui > -1) & (vi < Hh) & (ui < Ww)
    vc = jnp.clip(vi, 0, Hh - 1)
    uc = jnp.clip(ui, 0, Ww - 1)
    b_idx = jnp.arange(heatmaps.shape[0])[:, None]
    k_idx = jnp.arange(heatmaps.shape[1])[None, :]
    vals = heatmaps[b_idx, k_idx, vc, uc]  # gather, [B, K]
    mask = jnp.where(valid & (vals > THRESHOLD), 1.0, 0.0)
    # broadcast mask across last coord dim, [B, K, 2]
    masks = jnp.broadcast_to(mask[..., None], coords.shape).astype(coords.dtype)
    return masks

if __name__ == "__main__":
    import jax
    _d = setup_inputs()
    print(jax.jit(kernel)(*tuple(_d.values())))

</pallas_src>

<mosaic_0001>
#map = affine_map<(d0, d1) -> (0)>
module attributes {stable_mosaic.version = 14 : i64} {
  func.func @_vis_kernel(%arg0: i32, %arg1: i32, %arg2: memref<34816xf32, #tpu.memory_space<hbm>>, %arg3: memref<71303168xf32, #tpu.memory_space<hbm>>, %arg4: memref<34816xf32, #tpu.memory_space<hbm>>, %arg5: memref<3840xf32, #tpu.memory_space<vmem>>, %arg6: memref<640xi32, #tpu.memory_space<vmem>>, %arg7: memref<!tpu.dma_semaphore, #tpu.memory_space<semaphore_mem>>, %arg8: memref<!tpu.dma_semaphore, #tpu.memory_space<semaphore_mem>>, %arg9: memref<!tpu.dma_semaphore, #tpu.memory_space<semaphore_mem>>) attributes {dimension_semantics = [#tpu.dimension_semantics<core_parallel>, #tpu.dimension_semantics<subcore_parallel>], iteration_bounds = array<i64: 2, 16>, scalar_prefetch = 0 : i64, scratch_operands = 5 : i64, tpu.core_type = #tpu.core_type<sc_vector_subcore>, window_params = [{transform_indices = #map}, {transform_indices = #map}, {transform_indices = #map}]} {
    %mul3A = arith.constant 2 : i32
    %mul3A_0 = arith.muli %arg1, %mul3A : i32
    %add3A = arith.addi %mul3A_0, %arg0 : i32
    %mul3A_1 = arith.constant 4 : i32
    %mul3A_2 = arith.muli %add3A, %mul3A_1 : i32
    %min3A = arith.constant 8 : i32
    %min3A_3 = arith.minsi %add3A, %min3A : i32
    %add3A_4 = arith.addi %mul3A_2, %min3A_3 : i32
    %lt3A = arith.constant 8 : i32
    %lt3A_5 = arith.cmpi slt, %add3A, %lt3A : i32
    %convert_element_type3A = arith.extui %lt3A_5 : i1 to i32
    %add3A_6 = arith.constant 4 : i32
    %add3A_7 = arith.addi %add3A_6, %convert_element_type3A : i32
    %iota3A = tpu.iota {dimensions = array<i32: 0>} : vector<16xi32>
    %while3A = arith.constant 0 : i32
    %while3A_8 = arith.constant 0 : i32
    %while3A_9 = arith.subi %add3A_7, %while3A_8 : i32
    %while3A_10 = arith.addi %while3A_8, %while3A_9 : i32
    %while3A_11 = arith.constant 1 : i32
    %while3A_12 = arith.divsi %while3A_9, %while3A_11 : i32
    %while3A_13 = arith.muli %while3A_12, %while3A_11 : i32
    %while3A_14 = arith.addi %while3A_8, %while3A_13 : i32
    %while3A_15 = arith.constant 1 : i32
    scf.for %while3A_47 = %while3A_8 to %while3A_14 step %while3A_15  : i32 {
      %add3A_48 = arith.addi %add3A_4, %while3A_47 : i32
      %mul3A_49 = arith.constant 256 : i32
      %mul3A_50 = arith.muli %add3A_48, %mul3A_49 : i32
      %mul3A_51 = arith.constant 256 : i32
      %mul3A_52 = arith.muli %while3A_47, %mul3A_51 : i32
      %dma_start3A = arith.constant 0 : i32
      %dma_start3A_53 = tpu.memref_slice %arg5[%dma_start3A] : memref<3840xf32, #tpu.memory_space<vmem>> -> memref<1280xf32, #tpu.memory_space<vmem>>
      %dma_start3A_54 = tpu.memref_slice %dma_start3A_53[%mul3A_52] : memref<1280xf32, #tpu.memory_space<vmem>> -> memref<256xf32, #tpu.memory_space<vmem>>
      %dma_start3A_55 = tpu.memref_slice %arg2[%mul3A_50] : memref<34816xf32, #tpu.memory_space<hbm>> -> memref<256xf32, #tpu.memory_space<hbm>>
      %dma_start3A_56 = arith.constant 0 : i32
      %dma_start3A_57 = tpu.memref_slice %arg5[%dma_start3A_56] : memref<3840xf32, #tpu.memory_space<vmem>> -> memref<1280xf32, #tpu.memory_space<vmem>>
      %dma_start3A_58 = tpu.memref_slice %dma_start3A_57[%mul3A_52] : memref<1280xf32, #tpu.memory_space<vmem>> -> memref<256xf32, #tpu.memory_space<vmem>>
      %dma_start3A_59 = tpu.memref_slice %arg2[%mul3A_50] : memref<34816xf32, #tpu.memory_space<hbm>> -> memref<256xf32, #tpu.memory_space<hbm>>
      tpu.enqueue_dma source(%dma_start3A_59 : memref<256xf32, #tpu.memory_space<hbm>>) target(%dma_start3A_58 : memref<256xf32, #tpu.memory_space<vmem>>) target_semaphore(%arg7 : memref<!tpu.dma_semaphore, #tpu.memory_space<semaphore_mem>>)
    }
    %while3A_16 = arith.constant 1 : i32
    scf.for %while3A_47 = %while3A_14 to %while3A_10 step %while3A_16  : i32 {
      %add3A_48 = arith.addi %add3A_4, %while3A_47 : i32
      %mul3A_49 = arith.constant 256 : i32
      %mul3A_50 = arith.muli %add3A_48, %mul3A_49 : i32
      %mul3A_51 = arith.constant 256 : i32
      %mul3A_52 = arith.muli %while3A_47, %mul3A_51 : i32
      %dma_start3A = arith.constant 0 : i32
      %dma_start3A_53 = tpu.memref_slice %arg5[%dma_start3A] : memref<3840xf32, #tpu.memory_space<vmem>> -> memref<1280xf32, #tpu.memory_space<vmem>>
      %dma_start3A_54 = tpu.memref_slice %dma_start3A_53[%mul3A_52] : memref<1280xf32, #tpu.memory_space<vmem>> -> memref<256xf32, #tpu.memory_space<vmem>>
      %dma_start3A_55 = tpu.memref_slice %arg2[%mul3A_50] : memref<34816xf32, #tpu.memory_space<hbm>> -> memref<256xf32, #tpu.memory_space<hbm>>
      %dma_start3A_56 = arith.constant 0 : i32
      %dma_start3A_57 = tpu.memref_slice %arg5[%dma_start3A_56] : memref<3840xf32, #tpu.memory_space<vmem>> -> memref<1280xf32, #tpu.memory_space<vmem>>
      %dma_start3A_58 = tpu.memref_slice %dma_start3A_57[%mul3A_52] : memref<1280xf32, #tpu.memory_space<vmem>> -> memref<256xf32, #tpu.memory_space<vmem>>
      %dma_start3A_59 = tpu.memref_slice %arg2[%mul3A_50] : memref<34816xf32, #tpu.memory_space<hbm>> -> memref<256xf32, #tpu.memory_space<hbm>>
      tpu.enqueue_dma source(%dma_start3A_59 : memref<256xf32, #tpu.memory_space<hbm>>) target(%dma_start3A_58 : memref<256xf32, #tpu.memory_space<vmem>>) target_semaphore(%arg7 : memref<!tpu.dma_semaphore, #tpu.memory_space<semaphore_mem>>)
    }
    %while3A_17 = arith.constant 0 : i32
    %while3A_18 = arith.constant 0 : i32
    %while3A_19 = arith.subi %add3A_7, %while3A_18 : i32
    %while3A_20 = arith.addi %while3A_18, %while3A_19 : i32
    %while3A_21 = arith.constant 1 : i32
    %while3A_22 = arith.divsi %while3A_19, %while3A_21 : i32
    %while3A_23 = arith.muli %while3A_22, %while3A_21 : i32
    %while3A_24 = arith.addi %while3A_18, %while3A_23 : i32
    %while3A_25 = arith.constant 1 : i32
    scf.for %while3A_47 = %while3A_18 to %while3A_24 step %while3A_25  : i32 {
      %add3A_48 = arith.addi %add3A_4, %while3A_47 : i32
      %mul3A_49 = arith.constant 256 : i32
      %mul3A_50 = arith.muli %add3A_48, %mul3A_49 : i32
      %mul3A_51 = arith.constant 256 : i32
      %mul3A_52 = arith.muli %while3A_47, %mul3A_51 : i32
      %dma_wait3A = arith.constant 0 : i32
      %dma_wait3A_53 = tpu.memref_slice %arg5[%dma_wait3A] : memref<3840xf32, #tpu.memory_space<vmem>> -> memref<1280xf32, #tpu.memory_space<vmem>>
      %dma_wait3A_54 = tpu.memref_slice %dma_wait3A_53[%mul3A_52] : memref<1280xf32, #tpu.memory_space<vmem>> -> memref<256xf32, #tpu.memory_space<vmem>>
      %dma_wait3A_55 = tpu.memref_slice %arg2[%mul3A_50] : memref<34816xf32, #tpu.memory_space<hbm>> -> memref<256xf32, #tpu.memory_space<hbm>>
      %dma_wait3A_56 = arith.constant 0 : i32
      %dma_wait3A_57 = tpu.memref_slice %arg5[%dma_wait3A_56] : memref<3840xf32, #tpu.memory_space<vmem>> -> memref<1280xf32, #tpu.memory_space<vmem>>
      %dma_wait3A_58 = tpu.memref_slice %dma_wait3A_57[%mul3A_52] : memref<1280xf32, #tpu.memory_space<vmem>> -> memref<256xf32, #tpu.memory_space<vmem>>
      %dma_wait3A_59 = tpu.memref_slice %arg2[%mul3A_50] : memref<34816xf32, #tpu.memory_space<hbm>> -> memref<256xf32, #tpu.memory_space<hbm>>
      tpu.wait_dma2 semaphore(%arg7 : memref<!tpu.dma_semaphore, #tpu.memory_space<semaphore_mem>>) src(%dma_wait3A_59 : memref<256xf32, #tpu.memory_space<hbm>>) dst(%dma_wait3A_58 : memref<256xf32, #tpu.memory_space<vmem>>)
      %add3A_60 = arith.addi %add3A_4, %while3A_47 : i32
      %shift_right_arithmetic3A = arith.constant 3 : i32
      %shift_right_arithmetic3A_61 = arith.shrsi %add3A_60, %shift_right_arithmetic3A : i32
      %and3A = arith.constant 7 : i32
      %and3A_62 = arith.andi %add3A_60, %and3A : i32
      %mul3A_63 = arith.constant 4194304 : i32
      %mul3A_64 = arith.muli %shift_right_arithmetic3A_61, %mul3A_63 : i32
      %mul3A_65 = arith.constant 1024 : i32
      %mul3A_66 = arith.muli %and3A_62, %mul3A_65 : i32
      %add3A_67 = arith.addi %mul3A_64, %mul3A_66 : i32
      %scan3A = arith.constant 0 : i32
      %scan3A_68 = arith.constant 0 : i32
      %scan3A_69 = arith.constant 4 : i32
      %scan3A_70 = arith.addi %scan3A_68, %scan3A_69 : i32
      %scan3A_71 = arith.constant 1 : i32
      scf.for %scan3A_82 = %scan3A_68 to %scan3A_70 step %scan3A_71  : i32 {
        %mul3A_83 = arith.constant 2 : i32
        %mul3A_84 = arith.muli %scan3A_82, %mul3A_83 : i32
        %mul3A_85 = arith.constant 256 : i32
        %mul3A_86 = arith.muli %while3A_47, %mul3A_85 : i32
        %mul3A_87 = arith.constant 16 : i32
        %mul3A_88 = arith.muli %mul3A_84, %mul3A_87 : i32
        %add3A_89 = arith.addi %mul3A_86, %mul3A_88 : i32
        %get3A = arith.constant 0 : i32
        %get3A_90 = tpu.memref_slice %arg5[%get3A] : memref<3840xf32, #tpu.memory_space<vmem>> -> memref<1280xf32, #tpu.memory_space<vmem>>
        %get3A_91 = arith.index_cast %add3A_89 : i32 to index
        %get3A_92 = tpu.vector_load %get3A_90[%get3A_91] {strides = array<i32>} : memref<1280xf32, #tpu.memory_space<vmem>>, vector<16xf32>,
        %get3A_93 = vector.shape_cast %get3A_92 : vector<16xf32> to vector<16xf32>
        %mul3A_94 = arith.constant 256 : i32
        %mul3A_95 = arith.muli %while3A_47, %mul3A_94 : i32
        %add3A_96 = arith.constant 128 : i32
        %add3A_97 = arith.addi %mul3A_95, %add3A_96 : i32
        %mul3A_98 = arith.constant 16 : i32
        %mul3A_99 = arith.muli %mul3A_84, %mul3A_98 : i32
        %add3A_100 = arith.addi %add3A_97, %mul3A_99 : i32
        %get3A_101 = arith.constant 0 : i32
        %get3A_102 = tpu.memref_slice %arg5[%get3A_101] : memref<3840xf32, #tpu.memory_space<vmem>> -> memref<1280xf32, #tpu.memory_space<vmem>>
        %get3A_103 = arith.index_cast %add3A_100 : i32 to index
        %get3A_104 = tpu.vector_load %get3A_102[%get3A_103] {strides = array<i32>} : memref<1280xf32, #tpu.memory_space<vmem>>, vector<16xf32>,
        %get3A_105 = vector.shape_cast %get3A_104 : vector<16xf32> to vector<16xf32>
        %mul3A_106 = arith.constant 3.200000e+01 : f32
        %mul3A_107 = vector.broadcast %mul3A_106 : f32 to vector<16xf32>
        %mul3A_108 = arith.mulf %get3A_93, %mul3A_107 : vector<16xf32>
        %add3A_109 = arith.constant 3.200000e+01 : f32
        %add3A_110 = vector.broadcast %add3A_109 : f32 to vector<16xf32>
        %add3A_111 = arith.addf %mul3A_108, %add3A_110 : vector<16xf32>
        %convert_element_type3A_112 = arith.fptosi %add3A_111 : vector<16xf32> to vector<16xi32>
        %mul3A_113 = arith.constant 3.200000e+01 : f32
        %mul3A_114 = vector.broadcast %mul3A_113 : f32 to vector<16xf32>
        %mul3A_115 = arith.mulf %get3A_105, %mul3A_114 : vector<16xf32>
        %add3A_116 = arith.constant 3.200000e+01 : f32
        %add3A_117 = vector.broadcast %add3A_116 : f32 to vector<16xf32>
        %add3A_118 = arith.addf %mul3A_115, %add3A_117 : vector<16xf32>
        %convert_element_type3A_119 = arith.fptosi %add3A_118 : vector<16xf32> to vector<16xi32>
        %lt3A_120 = arith.constant 64 : i32
        %lt3A_121 = vector.broadcast %lt3A_120 : i32 to vector<16xi32>
        %lt3A_122 = arith.cmpi slt, %convert_element_type3A_119, %lt3A_121 : vector<16xi32>
        %lt3A_123 = arith.constant 64 : i32
        %lt3A_124 = vector.broadcast %lt3A_123 : i32 to vector<16xi32>
        %lt3A_125 = arith.cmpi slt, %convert_element_type3A_112, %lt3A_124 : vector<16xi32>
        %and3A_126 = arith.andi %lt3A_122, %lt3A_125 : vector<16xi1>
        %min3A_127 = arith.constant 63 : i32
        %min3A_128 = vector.broadcast %min3A_127 : i32 to vector<16xi32>
        %min3A_129 = arith.minsi %convert_element_type3A_112, %min3A_128 : vector<16xi32>
        %min3A_130 = arith.constant 63 : i32
        %min3A_131 = vector.broadcast %min3A_130 : i32 to vector<16xi32>
        %min3A_132 = arith.minsi %convert_element_type3A_119, %min3A_131 : vector<16xi32>
        %shift_left3A = arith.constant 16 : i32
        %shift_left3A_133 = vector.broadcast %shift_left3A : i32 to vector<16xi32>
        %shift_left3A_134 = arith.shli %min3A_132, %shift_left3A_133 : vector<16xi32>
        %add3A_135 = vector.broadcast %add3A_67 : i32 to vector<16xi32>
        %add3A_136 = arith.addi %add3A_135, %shift_left3A_134 : vector<16xi32>
        %shift_right_arithmetic3A_137 = arith.constant 3 : i32
        %shift_right_arithmetic3A_138 = vector.broadcast %shift_right_arithmetic3A_137 : i32 to vector<16xi32>
        %shift_right_arithmetic3A_139 = arith.shrsi %min3A_129, %shift_right_arithmetic3A_138 : vector<16xi32>
        %shift_left3A_140 = arith.constant 13 : i32
        %shift_left3A_141 = vector.broadcast %shift_left3A_140 : i32 to vector<16xi32>
        %shift_left3A_142 = arith.shli %shift_right_arithmetic3A_139, %shift_left3A_141 : vector<16xi32>
        %add3A_143 = arith.addi %add3A_136, %shift_left3A_142 : vector<16xi32>
        %and3A_144 = arith.constant 7 : i32
        %and3A_145 = vector.broadcast %and3A_144 : i32 to vector<16xi32>
        %and3A_146 = arith.andi %min3A_129, %and3A_145 : vector<16xi32>
        %shift_left3A_147 = arith.constant 7 : i32
        %shift_left3A_148 = vector.broadcast %shift_left3A_147 : i32 to vector<16xi32>
        %shift_left3A_149 = arith.shli %and3A_146, %shift_left3A_148 : vector<16xi32>
        %add3A_150 = arith.addi %add3A_143, %shift_left3A_149 : vector<16xi32>
        %mul3A_151 = arith.constant 16 : i32
        %mul3A_152 = arith.muli %mul3A_84, %mul3A_151 : i32
        %add3A_153 = vector.broadcast %mul3A_152 : i32 to vector<16xi32>
        %add3A_154 = arith.addi %add3A_150, %add3A_153 : vector<16xi32>
        %add3A_155 = arith.addi %add3A_154, %iota3A : vector<16xi32>
        %mul3A_156 = arith.constant 128 : i32
        %mul3A_157 = arith.muli %while3A_47, %mul3A_156 : i32
        %mul3A_158 = arith.constant 16 : i32
        %mul3A_159 = arith.muli %mul3A_84, %mul3A_158 : i32
        %add3A_160 = arith.addi %mul3A_157, %mul3A_159 : i32
        %swap3A = arith.index_cast %add3A_160 : i32 to index
        %swap3A_161 = tpu.vector_load %arg6[%swap3A] {strides = array<i32>} : memref<640xi32, #tpu.memory_space<vmem>>, vector<16xi32>,
        %swap3A_162 = vector.shape_cast %swap3A_161 : vector<16xi32> to vector<16xi32>
        %swap3A_163 = vector.shape_cast %add3A_155 : vector<16xi32> to vector<16xi32>
        tpu.vector_store %arg6[%swap3A], %swap3A_163 {strides = array<i32>} : memref<640xi32, #tpu.memory_space<vmem>>, vector<16xi32>,
        %jit3A = arith.constant 1.000000e+00 : f32
        %jit3A_164 = arith.constant 0.000000e+00 : f32
        %broadcast_in_dim3A = vector.broadcast %jit3A : f32 to vector<16xf32>
        %broadcast_in_dim3A_165 = vector.broadcast %jit3A_164 : f32 to vector<16xf32>
        %select_n3A = arith.select %and3A_126, %broadcast_in_dim3A, %broadcast_in_dim3A_165 : vector<16xi1>, vector<16xf32>
        %mul3A_166 = arith.constant 128 : i32
        %mul3A_167 = arith.muli %while3A_47, %mul3A_166 : i32
        %mul3A_168 = arith.constant 16 : i32
        %mul3A_169 = arith.muli %mul3A_84, %mul3A_168 : i32
        %add3A_170 = arith.addi %mul3A_167, %mul3A_169 : i32
        %swap3A_171 = arith.constant 1280 : i32
        %swap3A_172 = tpu.memref_slice %arg5[%swap3A_171] : memref<3840xf32, #tpu.memory_space<vmem>> -> memref<640xf32, #tpu.memory_space<vmem>>
        %swap3A_173 = arith.index_cast %add3A_170 : i32 to index
        %swap3A_174 = tpu.vector_load %swap3A_172[%swap3A_173] {strides = array<i32>} : memref<640xf32, #tpu.memory_space<vmem>>, vector<16xf32>,
        %swap3A_175 = vector.shape_cast %swap3A_174 : vector<16xf32> to vector<16xf32>
        %swap3A_176 = vector.shape_cast %select_n3A : vector<16xf32> to vector<16xf32>
        tpu.vector_store %swap3A_172[%swap3A_173], %swap3A_176 {strides = array<i32>} : memref<640xf32, #tpu.memory_space<vmem>>, vector<16xf32>,
        %mul3A_177 = arith.constant 2 : i32
        %mul3A_178 = arith.muli %scan3A_82, %mul3A_177 : i32
        %add3A_179 = arith.constant 1 : i32
        %add3A_180 = arith.addi %mul3A_178, %add3A_179 : i32
        %mul3A_181 = arith.constant 256 : i32
        %mul3A_182 = arith.muli %while3A_47, %mul3A_181 : i32
        %mul3A_183 = arith.constant 16 : i32
        %mul3A_184 = arith.muli %add3A_180, %mul3A_183 : i32
        %add3A_185 = arith.addi %mul3A_182, %mul3A_184 : i32
        %get3A_186 = arith.constant 0 : i32
        %get3A_187 = tpu.memref_slice %arg5[%get3A_186] : memref<3840xf32, #tpu.memory_space<vmem>> -> memref<1280xf32, #tpu.memory_space<vmem>>
        %get3A_188 = arith.index_cast %add3A_185 : i32 to index
        %get3A_189 = tpu.vector_load %get3A_187[%get3A_188] {strides = array<i32>} : memref<1280xf32, #tpu.memory_space<vmem>>, vector<16xf32>,
        %get3A_190 = vector.shape_cast %get3A_189 : vector<16xf32> to vector<16xf32>
        %mul3A_191 = arith.constant 256 : i32
        %mul3A_192 = arith.muli %while3A_47, %mul3A_191 : i32
        %add3A_193 = arith.constant 128 : i32
        %add3A_194 = arith.addi %mul3A_192, %add3A_193 : i32
        %mul3A_195 = arith.constant 16 : i32
        %mul3A_196 = arith.muli %add3A_180, %mul3A_195 : i32
        %add3A_197 = arith.addi %add3A_194, %mul3A_196 : i32
        %get3A_198 = arith.constant 0 : i32
        %get3A_199 = tpu.memref_slice %arg5[%get3A_198] : memref<3840xf32, #tpu.memory_space<vmem>> -> memref<1280xf32, #tpu.memory_space<vmem>>
        %get3A_200 = arith.index_cast %add3A_197 : i32 to index
        %get3A_201 = tpu.vector_load %get3A_199[%get3A_200] {strides = array<i32>} : memref<1280xf32, #tpu.memory_space<vmem>>, vector<16xf32>,
        %get3A_202 = vector.shape_cast %get3A_201 : vector<16xf32> to vector<16xf32>
        %mul3A_203 = arith.constant 3.200000e+01 : f32
        %mul3A_204 = vector.broadcast %mul3A_203 : f32 to vector<16xf32>
        %mul3A_205 = arith.mulf %get3A_190, %mul3A_204 : vector<16xf32>
        %add3A_206 = arith.constant 3.200000e+01 : f32
        %add3A_207 = vector.broadcast %add3A_206 : f32 to vector<16xf32>
        %add3A_208 = arith.addf %mul3A_205, %add3A_207 : vector<16xf32>
        %convert_element_type3A_209 = arith.fptosi %add3A_208 : vector<16xf32> to vector<16xi32>
        %mul3A_210 = arith.constant 3.200000e+01 : f32
        %mul3A_211 = vector.broadcast %mul3A_210 : f32 to vector<16xf32>
        %mul3A_212 = arith.mulf %get3A_202, %mul3A_211 : vector<16xf32>
        %add3A_213 = arith.constant 3.200000e+01 : f32
        %add3A_214 = vector.broadcast %add3A_213 : f32 to vector<16xf32>
        %add3A_215 = arith.addf %mul3A_212, %add3A_214 : vector<16xf32>
        %convert_element_type3A_216 = arith.fptosi %add3A_215 : vector<16xf32> to vector<16xi32>
        %lt3A_217 = arith.constant 64 : i32
        %lt3A_218 = vector.broadcast %lt3A_217 : i32 to vector<16xi32>
        %lt3A_219 = arith.cmpi slt, %convert_element_type3A_216, %lt3A_218 : vector<16xi32>
        %lt3A_220 = arith.constant 64 : i32
        %lt3A_221 = vector.broadcast %lt3A_220 : i32 to vector<16xi32>
        %lt3A_222 = arith.cmpi slt, %convert_element_type3A_209, %lt3A_221 : vector<16xi32>
        %and3A_223 = arith.andi %lt3A_219, %lt3A_222 : vector<16xi1>
        %min3A_224 = arith.constant 63 : i32
        %min3A_225 = vector.broadcast %min3A_224 : i32 to vector<16xi32>
        %min3A_226 = arith.minsi %convert_element_type3A_209, %min3A_225 : vector<16xi32>
        %min3A_227 = arith.constant 63 : i32
        %min3A_228 = vector.broadcast %min3A_227 : i32 to vector<16xi32>
        %min3A_229 = arith.minsi %convert_element_type3A_216, %min3A_228 : vector<16xi32>
        %shift_left3A_230 = arith.constant 16 : i32
        %shift_left3A_231 = vector.broadcast %shift_left3A_230 : i32 to vector<16xi32>
        %shift_left3A_232 = arith.shli %min3A_229, %shift_left3A_231 : vector<16xi32>
        %add3A_233 = vector.broadcast %add3A_67 : i32 to vector<16xi32>
        %add3A_234 = arith.addi %add3A_233, %shift_left3A_232 : vector<16xi32>
        %shift_right_arithmetic3A_235 = arith.constant 3 : i32
        %shift_right_arithmetic3A_236 = vector.broadcast %shift_right_arithmetic3A_235 : i32 to vector<16xi32>
        %shift_right_arithmetic3A_237 = arith.shrsi %min3A_226, %shift_right_arithmetic3A_236 : vector<16xi32>
        %shift_left3A_238 = arith.constant 13 : i32
        %shift_left3A_239 = vector.broadcast %shift_left3A_238 : i32 to vector<16xi32>
        %shift_left3A_240 = arith.shli %shift_right_arithmetic3A_237, %shift_left3A_239 : vector<16xi32>
        %add3A_241 = arith.addi %add3A_234, %shift_left3A_240 : vector<16xi32>
        %and3A_242 = arith.constant 7 : i32
        %and3A_243 = vector.broadcast %and3A_242 : i32 to vector<16xi32>
        %and3A_244 = arith.andi %min3A_226, %and3A_243 : vector<16xi32>
        %shift_left3A_245 = arith.constant 7 : i32
        %shift_left3A_246 = vector.broadcast %shift_left3A_245 : i32 to vector<16xi32>
        %shift_left3A_247 = arith.shli %and3A_244, %shift_left3A_246 : vector<16xi32>
        %add3A_248 = arith.addi %add3A_241, %shift_left3A_247 : vector<16xi32>
        %mul3A_249 = arith.constant 16 : i32
        %mul3A_250 = arith.muli %add3A_180, %mul3A_249 : i32
        %add3A_251 = vector.broadcast %mul3A_250 : i32 to vector<16xi32>
        %add3A_252 = arith.addi %add3A_248, %add3A_251 : vector<16xi32>
        %add3A_253 = arith.addi %add3A_252, %iota3A : vector<16xi32>
        %mul3A_254 = arith.constant 128 : i32
        %mul3A_255 = arith.muli %while3A_47, %mul3A_254 : i32
        %mul3A_256 = arith.constant 16 : i32
        %mul3A_257 = arith.muli %add3A_180, %mul3A_256 : i32
        %add3A_258 = arith.addi %mul3A_255, %mul3A_257 : i32
        %swap3A_259 = arith.index_cast %add3A_258 : i32 to index
        %swap3A_260 = tpu.vector_load %arg6[%swap3A_259] {strides = array<i32>} : memref<640xi32, #tpu.memory_space<vmem>>, vector<16xi32>,
        %swap3A_261 = vector.shape_cast %swap3A_260 : vector<16xi32> to vector<16xi32>
        %swap3A_262 = vector.shape_cast %add3A_253 : vector<16xi32> to vector<16xi32>
        tpu.vector_store %arg6[%swap3A_259], %swap3A_262 {strides = array<i32>} : memref<640xi32, #tpu.memory_space<vmem>>, vector<16xi32>,
        %jit3A_263 = arith.constant 1.000000e+00 : f32
        %jit3A_264 = arith.constant 0.000000e+00 : f32
        %broadcast_in_dim3A_265 = vector.broadcast %jit3A_263 : f32 to vector<16xf32>
        %broadcast_in_dim3A_266 = vector.broadcast %jit3A_264 : f32 to vector<16xf32>
        %select_n3A_267 = arith.select %and3A_223, %broadcast_in_dim3A_265, %broadcast_in_dim3A_266 : vector<16xi1>, vector<16xf32>
        %mul3A_268 = arith.constant 128 : i32
        %mul3A_269 = arith.muli %while3A_47, %mul3A_268 : i32
        %mul3A_270 = arith.constant 16 : i32
        %mul3A_271 = arith.muli %add3A_180, %mul3A_270 : i32
        %add3A_272 = arith.addi %mul3A_269, %mul3A_271 : i32
        %swap3A_273 = arith.constant 1280 : i32
        %swap3A_274 = tpu.memref_slice %arg5[%swap3A_273] : memref<3840xf32, #tpu.memory_space<vmem>> -> memref<640xf32, #tpu.memory_space<vmem>>
        %swap3A_275 = arith.index_cast %add3A_272 : i32 to index
        %swap3A_276 = tpu.vector_load %swap3A_274[%swap3A_275] {strides = array<i32>} : memref<640xf32, #tpu.memory_space<vmem>>, vector<16xf32>,
        %swap3A_277 = vector.shape_cast %swap3A_276 : vector<16xf32> to vector<16xf32>
        %swap3A_278 = vector.shape_cast %select_n3A_267 : vector<16xf32> to vector<16xf32>
        tpu.vector_store %swap3A_274[%swap3A_275], %swap3A_278 {strides = array<i32>} : memref<640xf32, #tpu.memory_space<vmem>>, vector<16xf32>,
      }
      %scan3A_72 = arith.constant 4 : i32
      %mul3A_73 = arith.constant 128 : i32
      %mul3A_74 = arith.muli %while3A_47, %mul3A_73 : i32
      %mul3A_75 = arith.constant 128 : i32
      %mul3A_76 = arith.muli %while3A_47, %mul3A_75 : i32
      %dma_start3A = arith.constant 1920 : i32
      %dma_start3A_77 = tpu.memref_slice %arg5[%dma_start3A] : memref<3840xf32, #tpu.memory_space<vmem>> -> memref<640xf32, #tpu.memory_space<vmem>>
      %dma_start3A_78 = tpu.memref_slice %dma_start3A_77[%mul3A_76] : memref<640xf32, #tpu.memory_space<vmem>> -> memref<128xf32, #tpu.memory_space<vmem>>
      %dma_start3A_79 = tpu.memref_slice %arg6[%mul3A_74] : memref<640xi32, #tpu.memory_space<vmem>> -> memref<128xi32, #tpu.memory_space<vmem>>
      %dma_start3A_80 = arith.constant 0 : i32
      %dma_start3A_81 = tpu.memref_slice %arg3[%dma_start3A_80] : memref<71303168xf32, #tpu.memory_space<hbm>> -> memref<71303168xf32, #tpu.memory_space<hbm>>
      tpu.enqueue_indirect_dma source(%dma_start3A_81 : memref<71303168xf32, #tpu.memory_space<hbm>>) target(%dma_start3A_78 : memref<128xf32, #tpu.memory_space<vmem>>) offsets(%dma_start3A_79 : memref<128xi32, #tpu.memory_space<vmem>>) semaphore(%arg8 : memref<!tpu.dma_semaphore, #tpu.memory_space<semaphore_mem>>)
    }
    %while3A_26 = arith.constant 1 : i32
    scf.for %while3A_47 = %while3A_24 to %while3A_20 step %while3A_26  : i32 {
      %add3A_48 = arith.addi %add3A_4, %while3A_47 : i32
      %mul3A_49 = arith.constant 256 : i32
      %mul3A_50 = arith.muli %add3A_48, %mul3A_49 : i32
      %mul3A_51 = arith.constant 256 : i32
      %mul3A_52 = arith.muli %while3A_47, %mul3A_51 : i32
      %dma_wait3A = arith.constant 0 : i32
      %dma_wait3A_53 = tpu.memref_slice %arg5[%dma_wait3A] : memref<3840xf32, #tpu.memory_space<vmem>> -> memref<1280xf32, #tpu.memory_space<vmem>>
      %dma_wait3A_54 = tpu.memref_slice %dma_wait3A_53[%mul3A_52] : memref<1280xf32, #tpu.memory_space<vmem>> -> memref<256xf32, #tpu.memory_space<vmem>>
      %dma_wait3A_55 = tpu.memref_slice %arg2[%mul3A_50] : memref<34816xf32, #tpu.memory_space<hbm>> -> memref<256xf32, #tpu.memory_space<hbm>>
      %dma_wait3A_56 = arith.constant 0 : i32
      %dma_wait3A_57 = tpu.memref_slice %arg5[%dma_wait3A_56] : memref<3840xf32, #tpu.memory_space<vmem>> -> memref<1280xf32, #tpu.memory_space<vmem>>
      %dma_wait3A_58 = tpu.memref_slice %dma_wait3A_57[%mul3A_52] : memref<1280xf32, #tpu.memory_space<vmem>> -> memref<256xf32, #tpu.memory_space<vmem>>
      %dma_wait3A_59 = tpu.memref_slice %arg2[%mul3A_50] : memref<34816xf32, #tpu.memory_space<hbm>> -> memref<256xf32, #tpu.memory_space<hbm>>
      tpu.wait_dma2 semaphore(%arg7 : memref<!tpu.dma_semaphore, #tpu.memory_space<semaphore_mem>>) src(%dma_wait3A_59 : memref<256xf32, #tpu.memory_space<hbm>>) dst(%dma_wait3A_58 : memref<256xf32, #tpu.memory_space<vmem>>)
      %add3A_60 = arith.addi %add3A_4, %while3A_47 : i32
      %shift_right_arithmetic3A = arith.constant 3 : i32
      %shift_right_arithmetic3A_61 = arith.shrsi %add3A_60, %shift_right_arithmetic3A : i32
      %and3A = arith.constant 7 : i32
      %and3A_62 = arith.andi %add3A_60, %and3A : i32
      %mul3A_63 = arith.constant 4194304 : i32
      %mul3A_64 = arith.muli %shift_right_arithmetic3A_61, %mul3A_63 : i32
      %mul3A_65 = arith.constant 1024 : i32
      %mul3A_66 = arith.muli %and3A_62, %mul3A_65 : i32
      %add3A_67 = arith.addi %mul3A_64, %mul3A_66 : i32
      %scan3A = arith.constant 0 : i32
      %scan3A_68 = arith.constant 0 : i32
      %scan3A_69 = arith.constant 4 : i32
      %scan3A_70 = arith.addi %scan3A_68, %scan3A_69 : i32
      %scan3A_71 = arith.constant 1 : i32
      scf.for %scan3A_82 = %scan3A_68 to %scan3A_70 step %scan3A_71  : i32 {
        %mul3A_83 = arith.constant 2 : i32
        %mul3A_84 = arith.muli %scan3A_82, %mul3A_83 : i32
        %mul3A_85 = arith.constant 256 : i32
        %mul3A_86 = arith.muli %while3A_47, %mul3A_85 : i32
        %mul3A_87 = arith.constant 16 : i32
        %mul3A_88 = arith.muli %mul3A_84, %mul3A_87 : i32
        %add3A_89 = arith.addi %mul3A_86, %mul3A_88 : i32
        %get3A = arith.constant 0 : i32
        %get3A_90 = tpu.memref_slice %arg5[%get3A] : memref<3840xf32, #tpu.memory_space<vmem>> -> memref<1280xf32, #tpu.memory_space<vmem>>
        %get3A_91 = arith.index_cast %add3A_89 : i32 to index
        %get3A_92 = tpu.vector_load %get3A_90[%get3A_91] {strides = array<i32>} : memref<1280xf32, #tpu.memory_space<vmem>>, vector<16xf32>,
        %get3A_93 = vector.shape_cast %get3A_92 : vector<16xf32> to vector<16xf32>
        %mul3A_94 = arith.constant 256 : i32
        %mul3A_95 = arith.muli %while3A_47, %mul3A_94 : i32
        %add3A_96 = arith.constant 128 : i32
        %add3A_97 = arith.addi %mul3A_95, %add3A_96 : i32
        %mul3A_98 = arith.constant 16 : i32
        %mul3A_99 = arith.muli %mul3A_84, %mul3A_98 : i32
        %add3A_100 = arith.addi %add3A_97, %mul3A_99 : i32
        %get3A_101 = arith.constant 0 : i32
        %get3A_102 = tpu.memref_slice %arg5[%get3A_101] : memref<3840xf32, #tpu.memory_space<vmem>> -> memref<1280xf32, #tpu.memory_space<vmem>>
        %get3A_103 = arith.index_cast %add3A_100 : i32 to index
        %get3A_104 = tpu.vector_load %get3A_102[%get3A_103] {strides = array<i32>} : memref<1280xf32, #tpu.memory_space<vmem>>, vector<16xf32>,
        %get3A_105 = vector.shape_cast %get3A_104 : vector<16xf32> to vector<16xf32>
        %mul3A_106 = arith.constant 3.200000e+01 : f32
        %mul3A_107 = vector.broadcast %mul3A_106 : f32 to vector<16xf32>
        %mul3A_108 = arith.mulf %get3A_93, %mul3A_107 : vector<16xf32>
        %add3A_109 = arith.constant 3.200000e+01 : f32
        %add3A_110 = vector.broadcast %add3A_109 : f32 to vector<16xf32>
        %add3A_111 = arith.addf %mul3A_108, %add3A_110 : vector<16xf32>
        %convert_element_type3A_112 = arith.fptosi %add3A_111 : vector<16xf32> to vector<16xi32>
        %mul3A_113 = arith.constant 3.200000e+01 : f32
        %mul3A_114 = vector.broadcast %mul3A_113 : f32 to vector<16xf32>
        %mul3A_115 = arith.mulf %get3A_105, %mul3A_114 : vector<16xf32>
        %add3A_116 = arith.constant 3.200000e+01 : f32
        %add3A_117 = vector.broadcast %add3A_116 : f32 to vector<16xf32>
        %add3A_118 = arith.addf %mul3A_115, %add3A_117 : vector<16xf32>
        %convert_element_type3A_119 = arith.fptosi %add3A_118 : vector<16xf32> to vector<16xi32>
        %lt3A_120 = arith.constant 64 : i32
        %lt3A_121 = vector.broadcast %lt3A_120 : i32 to vector<16xi32>
        %lt3A_122 = arith.cmpi slt, %convert_element_type3A_119, %lt3A_121 : vector<16xi32>
        %lt3A_123 = arith.constant 64 : i32
        %lt3A_124 = vector.broadcast %lt3A_123 : i32 to vector<16xi32>
        %lt3A_125 = arith.cmpi slt, %convert_element_type3A_112, %lt3A_124 : vector<16xi32>
        %and3A_126 = arith.andi %lt3A_122, %lt3A_125 : vector<16xi1>
        %min3A_127 = arith.constant 63 : i32
        %min3A_128 = vector.broadcast %min3A_127 : i32 to vector<16xi32>
        %min3A_129 = arith.minsi %convert_element_type3A_112, %min3A_128 : vector<16xi32>
        %min3A_130 = arith.constant 63 : i32
        %min3A_131 = vector.broadcast %min3A_130 : i32 to vector<16xi32>
        %min3A_132 = arith.minsi %convert_element_type3A_119, %min3A_131 : vector<16xi32>
        %shift_left3A = arith.constant 16 : i32
        %shift_left3A_133 = vector.broadcast %shift_left3A : i32 to vector<16xi32>
        %shift_left3A_134 = arith.shli %min3A_132, %shift_left3A_133 : vector<16xi32>
        %add3A_135 = vector.broadcast %add3A_67 : i32 to vector<16xi32>
        %add3A_136 = arith.addi %add3A_135, %shift_left3A_134 : vector<16xi32>
        %shift_right_arithmetic3A_137 = arith.constant 3 : i32
        %shift_right_arithmetic3A_138 = vector.broadcast %shift_right_arithmetic3A_137 : i32 to vector<16xi32>
        %shift_right_arithmetic3A_139 = arith.shrsi %min3A_129, %shift_right_arithmetic3A_138 : vector<16xi32>
        %shift_left3A_140 = arith.constant 13 : i32
        %shift_left3A_141 = vector.broadcast %shift_left3A_140 : i32 to vector<16xi32>
        %shift_left3A_142 = arith.shli %shift_right_arithmetic3A_139, %shift_left3A_141 : vector<16xi32>
        %add3A_143 = arith.addi %add3A_136, %shift_left3A_142 : vector<16xi32>
        %and3A_144 = arith.constant 7 : i32
        %and3A_145 = vector.broadcast %and3A_144 : i32 to vector<16xi32>
        %and3A_146 = arith.andi %min3A_129, %and3A_145 : vector<16xi32>
        %shift_left3A_147 = arith.constant 7 : i32
        %shift_left3A_148 = vector.broadcast %shift_left3A_147 : i32 to vector<16xi32>
        %shift_left3A_149 = arith.shli %and3A_146, %shift_left3A_148 : vector<16xi32>
        %add3A_150 = arith.addi %add3A_143, %shift_left3A_149 : vector<16xi32>
        %mul3A_151 = arith.constant 16 : i32
        %mul3A_152 = arith.muli %mul3A_84, %mul3A_151 : i32
        %add3A_153 = vector.broadcast %mul3A_152 : i32 to vector<16xi32>
        %add3A_154 = arith.addi %add3A_150, %add3A_153 : vector<16xi32>
        %add3A_155 = arith.addi %add3A_154, %iota3A : vector<16xi32>
        %mul3A_156 = arith.constant 128 : i32
        %mul3A_157 = arith.muli %while3A_47, %mul3A_156 : i32
        %mul3A_158 = arith.constant 16 : i32
        %mul3A_159 = arith.muli %mul3A_84, %mul3A_158 : i32
        %add3A_160 = arith.addi %mul3A_157, %mul3A_159 : i32
        %swap3A = arith.index_cast %add3A_160 : i32 to index
        %swap3A_161 = tpu.vector_load %arg6[%swap3A] {strides = array<i32>} : memref<640xi32, #tpu.memory_space<vmem>>, vector<16xi32>,
        %swap3A_162 = vector.shape_cast %swap3A_161 : vector<16xi32> to vector<16xi32>
        %swap3A_163 = vector.shape_cast %add3A_155 : vector<16xi32> to vector<16xi32>
        tpu.vector_store %arg6[%swap3A], %swap3A_163 {strides = array<i32>} : memref<640xi32, #tpu.memory_space<vmem>>, vector<16xi32>,
        %jit3A = arith.constant 1.000000e+00 : f32
        %jit3A_164 = arith.constant 0.000000e+00 : f32
        %broadcast_in_dim3A = vector.broadcast %jit3A : f32 to vector<16xf32>
        %broadcast_in_dim3A_165 = vector.broadcast %jit3A_164 : f32 to vector<16xf32>
        %select_n3A = arith.select %and3A_126, %broadcast_in_dim3A, %broadcast_in_dim3A_165 : vector<16xi1>, vector<16xf32>
        %mul3A_166 = arith.constant 128 : i32
        %mul3A_167 = arith.muli %while3A_47, %mul3A_166 : i32
        %mul3A_168 = arith.constant 16 : i32
        %mul3A_169 = arith.muli %mul3A_84, %mul3A_168 : i32
        %add3A_170 = arith.addi %mul3A_167, %mul3A_169 : i32
        %swap3A_171 = arith.constant 1280 : i32
        %swap3A_172 = tpu.memref_slice %arg5[%swap3A_171] : memref<3840xf32, #tpu.memory_space<vmem>> -> memref<640xf32, #tpu.memory_space<vmem>>
        %swap3A_173 = arith.index_cast %add3A_170 : i32 to index
        %swap3A_174 = tpu.vector_load %swap3A_172[%swap3A_173] {strides = array<i32>} : memref<640xf32, #tpu.memory_space<vmem>>, vector<16xf32>,
        %swap3A_175 = vector.shape_cast %swap3A_174 : vector<16xf32> to vector<16xf32>
        %swap3A_176 = vector.shape_cast %select_n3A : vector<16xf32> to vector<16xf32>
        tpu.vector_store %swap3A_172[%swap3A_173], %swap3A_176 {strides = array<i32>} : memref<640xf32, #tpu.memory_space<vmem>>, vector<16xf32>,
        %mul3A_177 = arith.constant 2 : i32
        %mul3A_178 = arith.muli %scan3A_82, %mul3A_177 : i32
        %add3A_179 = arith.constant 1 : i32
        %add3A_180 = arith.addi %mul3A_178, %add3A_179 : i32
        %mul3A_181 = arith.constant 256 : i32
        %mul3A_182 = arith.muli %while3A_47, %mul3A_181 : i32
        %mul3A_183 = arith.constant 16 : i32
        %mul3A_184 = arith.muli %add3A_180, %mul3A_183 : i32
        %add3A_185 = arith.addi %mul3A_182, %mul3A_184 : i32
        %get3A_186 = arith.constant 0 : i32
        %get3A_187 = tpu.memref_slice %arg5[%get3A_186] : memref<3840xf32, #tpu.memory_space<vmem>> -> memref<1280xf32, #tpu.memory_space<vmem>>
        %get3A_188 = arith.index_cast %add3A_185 : i32 to index
        %get3A_189 = tpu.vector_load %get3A_187[%get3A_188] {strides = array<i32>} : memref<1280xf32, #tpu.memory_space<vmem>>, vector<16xf32>,
        %get3A_190 = vector.shape_cast %get3A_189 : vector<16xf32> to vector<16xf32>
        %mul3A_191 = arith.constant 256 : i32
        %mul3A_192 = arith.muli %while3A_47, %mul3A_191 : i32
        %add3A_193 = arith.constant 128 : i32
        %add3A_194 = arith.addi %mul3A_192, %add3A_193 : i32
        %mul3A_195 = arith.constant 16 : i32
        %mul3A_196 = arith.muli %add3A_180, %mul3A_195 : i32
        %add3A_197 = arith.addi %add3A_194, %mul3A_196 : i32
        %get3A_198 = arith.constant 0 : i32
        %get3A_199 = tpu.memref_slice %arg5[%get3A_198] : memref<3840xf32, #tpu.memory_space<vmem>> -> memref<1280xf32, #tpu.memory_space<vmem>>
        %get3A_200 = arith.index_cast %add3A_197 : i32 to index
        %get3A_201 = tpu.vector_load %get3A_199[%get3A_200] {strides = array<i32>} : memref<1280xf32, #tpu.memory_space<vmem>>, vector<16xf32>,
        %get3A_202 = vector.shape_cast %get3A_201 : vector<16xf32> to vector<16xf32>
        %mul3A_203 = arith.constant 3.200000e+01 : f32
        %mul3A_204 = vector.broadcast %mul3A_203 : f32 to vector<16xf32>
        %mul3A_205 = arith.mulf %get3A_190, %mul3A_204 : vector<16xf32>
        %add3A_206 = arith.constant 3.200000e+01 : f32
        %add3A_207 = vector.broadcast %add3A_206 : f32 to vector<16xf32>
        %add3A_208 = arith.addf %mul3A_205, %add3A_207 : vector<16xf32>
        %convert_element_type3A_209 = arith.fptosi %add3A_208 : vector<16xf32> to vector<16xi32>
        %mul3A_210 = arith.constant 3.200000e+01 : f32
        %mul3A_211 = vector.broadcast %mul3A_210 : f32 to vector<16xf32>
        %mul3A_212 = arith.mulf %get3A_202, %mul3A_211 : vector<16xf32>
        %add3A_213 = arith.constant 3.200000e+01 : f32
        %add3A_214 = vector.broadcast %add3A_213 : f32 to vector<16xf32>
        %add3A_215 = arith.addf %mul3A_212, %add3A_214 : vector<16xf32>
        %convert_element_type3A_216 = arith.fptosi %add3A_215 : vector<16xf32> to vector<16xi32>
        %lt3A_217 = arith.constant 64 : i32
        %lt3A_218 = vector.broadcast %lt3A_217 : i32 to vector<16xi32>
        %lt3A_219 = arith.cmpi slt, %convert_element_type3A_216, %lt3A_218 : vector<16xi32>
        %lt3A_220 = arith.constant 64 : i32
        %lt3A_221 = vector.broadcast %lt3A_220 : i32 to vector<16xi32>
        %lt3A_222 = arith.cmpi slt, %convert_element_type3A_209, %lt3A_221 : vector<16xi32>
        %and3A_223 = arith.andi %lt3A_219, %lt3A_222 : vector<16xi1>
        %min3A_224 = arith.constant 63 : i32
        %min3A_225 = vector.broadcast %min3A_224 : i32 to vector<16xi32>
        %min3A_226 = arith.minsi %convert_element_type3A_209, %min3A_225 : vector<16xi32>
        %min3A_227 = arith.constant 63 : i32
        %min3A_228 = vector.broadcast %min3A_227 : i32 to vector<16xi32>
        %min3A_229 = arith.minsi %convert_element_type3A_216, %min3A_228 : vector<16xi32>
        %shift_left3A_230 = arith.constant 16 : i32
        %shift_left3A_231 = vector.broadcast %shift_left3A_230 : i32 to vector<16xi32>
        %shift_left3A_232 = arith.shli %min3A_229, %shift_left3A_231 : vector<16xi32>
        %add3A_233 = vector.broadcast %add3A_67 : i32 to vector<16xi32>
        %add3A_234 = arith.addi %add3A_233, %shift_left3A_232 : vector<16xi32>
        %shift_right_arithmetic3A_235 = arith.constant 3 : i32
        %shift_right_arithmetic3A_236 = vector.broadcast %shift_right_arithmetic3A_235 : i32 to vector<16xi32>
        %shift_right_arithmetic3A_237 = arith.shrsi %min3A_226, %shift_right_arithmetic3A_236 : vector<16xi32>
        %shift_left3A_238 = arith.constant 13 : i32
        %shift_left3A_239 = vector.broadcast %shift_left3A_238 : i32 to vector<16xi32>
        %shift_left3A_240 = arith.shli %shift_right_arithmetic3A_237, %shift_left3A_239 : vector<16xi32>
        %add3A_241 = arith.addi %add3A_234, %shift_left3A_240 : vector<16xi32>
        %and3A_242 = arith.constant 7 : i32
        %and3A_243 = vector.broadcast %and3A_242 : i32 to vector<16xi32>
        %and3A_244 = arith.andi %min3A_226, %and3A_243 : vector<16xi32>
        %shift_left3A_245 = arith.constant 7 : i32
        %shift_left3A_246 = vector.broadcast %shift_left3A_245 : i32 to vector<16xi32>
        %shift_left3A_247 = arith.shli %and3A_244, %shift_left3A_246 : vector<16xi32>
        %add3A_248 = arith.addi %add3A_241, %shift_left3A_247 : vector<16xi32>
        %mul3A_249 = arith.constant 16 : i32
        %mul3A_250 = arith.muli %add3A_180, %mul3A_249 : i32
        %add3A_251 = vector.broadcast %mul3A_250 : i32 to vector<16xi32>
        %add3A_252 = arith.addi %add3A_248, %add3A_251 : vector<16xi32>
        %add3A_253 = arith.addi %add3A_252, %iota3A : vector<16xi32>
        %mul3A_254 = arith.constant 128 : i32
        %mul3A_255 = arith.muli %while3A_47, %mul3A_254 : i32
        %mul3A_256 = arith.constant 16 : i32
        %mul3A_257 = arith.muli %add3A_180, %mul3A_256 : i32
        %add3A_258 = arith.addi %mul3A_255, %mul3A_257 : i32
        %swap3A_259 = arith.index_cast %add3A_258 : i32 to index
        %swap3A_260 = tpu.vector_load %arg6[%swap3A_259] {strides = array<i32>} : memref<640xi32, #tpu.memory_space<vmem>>, vector<16xi32>,
        %swap3A_261 = vector.shape_cast %swap3A_260 : vector<16xi32> to vector<16xi32>
        %swap3A_262 = vector.shape_cast %add3A_253 : vector<16xi32> to vector<16xi32>
        tpu.vector_store %arg6[%swap3A_259], %swap3A_262 {strides = array<i32>} : memref<640xi32, #tpu.memory_space<vmem>>, vector<16xi32>,
        %jit3A_263 = arith.constant 1.000000e+00 : f32
        %jit3A_264 = arith.constant 0.000000e+00 : f32
        %broadcast_in_dim3A_265 = vector.broadcast %jit3A_263 : f32 to vector<16xf32>
        %broadcast_in_dim3A_266 = vector.broadcast %jit3A_264 : f32 to vector<16xf32>
        %select_n3A_267 = arith.select %and3A_223, %broadcast_in_dim3A_265, %broadcast_in_dim3A_266 : vector<16xi1>, vector<16xf32>
        %mul3A_268 = arith.constant 128 : i32
        %mul3A_269 = arith.muli %while3A_47, %mul3A_268 : i32
        %mul3A_270 = arith.constant 16 : i32
        %mul3A_271 = arith.muli %add3A_180, %mul3A_270 : i32
        %add3A_272 = arith.addi %mul3A_269, %mul3A_271 : i32
        %swap3A_273 = arith.constant 1280 : i32
        %swap3A_274 = tpu.memref_slice %arg5[%swap3A_273] : memref<3840xf32, #tpu.memory_space<vmem>> -> memref<640xf32, #tpu.memory_space<vmem>>
        %swap3A_275 = arith.index_cast %add3A_272 : i32 to index
        %swap3A_276 = tpu.vector_load %swap3A_274[%swap3A_275] {strides = array<i32>} : memref<640xf32, #tpu.memory_space<vmem>>, vector<16xf32>,
        %swap3A_277 = vector.shape_cast %swap3A_276 : vector<16xf32> to vector<16xf32>
        %swap3A_278 = vector.shape_cast %select_n3A_267 : vector<16xf32> to vector<16xf32>
        tpu.vector_store %swap3A_274[%swap3A_275], %swap3A_278 {strides = array<i32>} : memref<640xf32, #tpu.memory_space<vmem>>, vector<16xf32>,
      }
      %scan3A_72 = arith.constant 4 : i32
      %mul3A_73 = arith.constant 128 : i32
      %mul3A_74 = arith.muli %while3A_47, %mul3A_73 : i32
      %mul3A_75 = arith.constant 128 : i32
      %mul3A_76 = arith.muli %while3A_47, %mul3A_75 : i32
      %dma_start3A = arith.constant 1920 : i32
      %dma_start3A_77 = tpu.memref_slice %arg5[%dma_start3A] : memref<3840xf32, #tpu.memory_space<vmem>> -> memref<640xf32, #tpu.memory_space<vmem>>
      %dma_start3A_78 = tpu.memref_slice %dma_start3A_77[%mul3A_76] : memref<640xf32, #tpu.memory_space<vmem>> -> memref<128xf32, #tpu.memory_space<vmem>>
      %dma_start3A_79 = tpu.memref_slice %arg6[%mul3A_74] : memref<640xi32, #tpu.memory_space<vmem>> -> memref<128xi32, #tpu.memory_space<vmem>>
      %dma_start3A_80 = arith.constant 0 : i32
      %dma_start3A_81 = tpu.memref_slice %arg3[%dma_start3A_80] : memref<71303168xf32, #tpu.memory_space<hbm>> -> memref<71303168xf32, #tpu.memory_space<hbm>>
      tpu.enqueue_indirect_dma source(%dma_start3A_81 : memref<71303168xf32, #tpu.memory_space<hbm>>) target(%dma_start3A_78 : memref<128xf32, #tpu.memory_space<vmem>>) offsets(%dma_start3A_79 : memref<128xi32, #tpu.memory_space<vmem>>) semaphore(%arg8 : memref<!tpu.dma_semaphore, #tpu.memory_space<semaphore_mem>>)
    }
    %while3A_27 = arith.constant 0 : i32
    %while3A_28 = arith.constant 0 : i32
    %while3A_29 = arith.subi %add3A_7, %while3A_28 : i32
    %while3A_30 = arith.addi %while3A_28, %while3A_29 : i32
    %while3A_31 = arith.constant 1 : i32
    %while3A_32 = arith.divsi %while3A_29, %while3A_31 : i32
    %while3A_33 = arith.muli %while3A_32, %while3A_31 : i32
    %while3A_34 = arith.addi %while3A_28, %while3A_33 : i32
    %while3A_35 = arith.constant 1 : i32
    scf.for %while3A_47 = %while3A_28 to %while3A_34 step %while3A_35  : i32 {
      %mul3A_48 = arith.constant 128 : i32
      %mul3A_49 = arith.muli %while3A_47, %mul3A_48 : i32
      %mul3A_50 = arith.constant 128 : i32
      %mul3A_51 = arith.muli %while3A_47, %mul3A_50 : i32
      %dma_wait3A = arith.constant 1920 : i32
      %dma_wait3A_52 = tpu.memref_slice %arg5[%dma_wait3A] : memref<3840xf32, #tpu.memory_space<vmem>> -> memref<640xf32, #tpu.memory_space<vmem>>
      %dma_wait3A_53 = tpu.memref_slice %dma_wait3A_52[%mul3A_51] : memref<640xf32, #tpu.memory_space<vmem>> -> memref<128xf32, #tpu.memory_space<vmem>>
      %dma_wait3A_54 = tpu.memref_slice %arg6[%mul3A_49] : memref<640xi32, #tpu.memory_space<vmem>> -> memref<128xi32, #tpu.memory_space<vmem>>
      %dma_wait3A_55 = arith.constant 0 : i32
      %dma_wait3A_56 = tpu.memref_slice %arg3[%dma_wait3A_55] : memref<71303168xf32, #tpu.memory_space<hbm>> -> memref<71303168xf32, #tpu.memory_space<hbm>>
      tpu.wait_indirect_dma semaphore(%arg8 : memref<!tpu.dma_semaphore, #tpu.memory_space<semaphore_mem>>) src(%dma_wait3A_56 : memref<71303168xf32, #tpu.memory_space<hbm>>) dst(%dma_wait3A_53 : memref<128xf32, #tpu.memory_space<vmem>>)
      %scan3A = arith.constant 0 : i32
      %scan3A_57 = arith.constant 0 : i32
      %scan3A_58 = arith.constant 4 : i32
      %scan3A_59 = arith.addi %scan3A_57, %scan3A_58 : i32
      %scan3A_60 = arith.constant 1 : i32
      scf.for %scan3A_74 = %scan3A_57 to %scan3A_59 step %scan3A_60  : i32 {
        %mul3A_75 = arith.constant 2 : i32
        %mul3A_76 = arith.muli %scan3A_74, %mul3A_75 : i32
        %mul3A_77 = arith.constant 128 : i32
        %mul3A_78 = arith.muli %while3A_47, %mul3A_77 : i32
        %mul3A_79 = arith.constant 16 : i32
        %mul3A_80 = arith.muli %mul3A_76, %mul3A_79 : i32
        %add3A_81 = arith.addi %mul3A_78, %mul3A_80 : i32
        %get3A = arith.constant 1920 : i32
        %get3A_82 = tpu.memref_slice %arg5[%get3A] : memref<3840xf32, #tpu.memory_space<vmem>> -> memref<640xf32, #tpu.memory_space<vmem>>
        %get3A_83 = arith.index_cast %add3A_81 : i32 to index
        %get3A_84 = tpu.vector_load %get3A_82[%get3A_83] {strides = array<i32>} : memref<640xf32, #tpu.memory_space<vmem>>, vector<16xf32>,
        %get3A_85 = vector.shape_cast %get3A_84 : vector<16xf32> to vector<16xf32>
        %mul3A_86 = arith.constant 128 : i32
        %mul3A_87 = arith.muli %while3A_47, %mul3A_86 : i32
        %mul3A_88 = arith.constant 16 : i32
        %mul3A_89 = arith.muli %mul3A_76, %mul3A_88 : i32
        %add3A_90 = arith.addi %mul3A_87, %mul3A_89 : i32
        %get3A_91 = arith.constant 1280 : i32
        %get3A_92 = tpu.memref_slice %arg5[%get3A_91] : memref<3840xf32, #tpu.memory_space<vmem>> -> memref<640xf32, #tpu.memory_space<vmem>>
        %get3A_93 = arith.index_cast %add3A_90 : i32 to index
        %get3A_94 = tpu.vector_load %get3A_92[%get3A_93] {strides = array<i32>} : memref<640xf32, #tpu.memory_space<vmem>>, vector<16xf32>,
        %get3A_95 = vector.shape_cast %get3A_94 : vector<16xf32> to vector<16xf32>
        %gt3A = arith.constant 4.000000e-01 : f32
        %gt3A_96 = vector.broadcast %gt3A : f32 to vector<16xf32>
        %gt3A_97 = arith.cmpf ogt, %get3A_85, %gt3A_96 : vector<16xf32>
        %jit3A = arith.constant 0.000000e+00 : f32
        %broadcast_in_dim3A = vector.broadcast %jit3A : f32 to vector<16xf32>
        %select_n3A = arith.select %gt3A_97, %get3A_95, %broadcast_in_dim3A : vector<16xi1>, vector<16xf32>
        %mul3A_98 = arith.constant 256 : i32
        %mul3A_99 = arith.muli %while3A_47, %mul3A_98 : i32
        %mul3A_100 = arith.constant 16 : i32
        %mul3A_101 = arith.muli %mul3A_76, %mul3A_100 : i32
        %add3A_102 = arith.addi %mul3A_99, %mul3A_101 : i32
        %swap3A = arith.constant 2560 : i32
        %swap3A_103 = tpu.memref_slice %arg5[%swap3A] : memref<3840xf32, #tpu.memory_space<vmem>> -> memref<1280xf32, #tpu.memory_space<vmem>>
        %swap3A_104 = arith.index_cast %add3A_102 : i32 to index
        %swap3A_105 = tpu.vector_load %swap3A_103[%swap3A_104] {strides = array<i32>} : memref<1280xf32, #tpu.memory_space<vmem>>, vector<16xf32>,
        %swap3A_106 = vector.shape_cast %swap3A_105 : vector<16xf32> to vector<16xf32>
        %swap3A_107 = vector.shape_cast %select_n3A : vector<16xf32> to vector<16xf32>
        tpu.vector_store %swap3A_103[%swap3A_104], %swap3A_107 {strides = array<i32>} : memref<1280xf32, #tpu.memory_space<vmem>>, vector<16xf32>,
        %mul3A_108 = arith.constant 256 : i32
        %mul3A_109 = arith.muli %while3A_47, %mul3A_108 : i32
        %add3A_110 = arith.constant 128 : i32
        %add3A_111 = arith.addi %mul3A_109, %add3A_110 : i32
        %mul3A_112 = arith.constant 16 : i32
        %mul3A_113 = arith.muli %mul3A_76, %mul3A_112 : i32
        %add3A_114 = arith.addi %add3A_111, %mul3A_113 : i32
        %swap3A_115 = arith.constant 2560 : i32
        %swap3A_116 = tpu.memref_slice %arg5[%swap3A_115] : memref<3840xf32, #tpu.memory_space<vmem>> -> memref<1280xf32, #tpu.memory_space<vmem>>
        %swap3A_117 = arith.index_cast %add3A_114 : i32 to index
        %swap3A_118 = tpu.vector_load %swap3A_116[%swap3A_117] {strides = array<i32>} : memref<1280xf32, #tpu.memory_space<vmem>>, vector<16xf32>,
        %swap3A_119 = vector.shape_cast %swap3A_118 : vector<16xf32> to vector<16xf32>
        %swap3A_120 = vector.shape_cast %select_n3A : vector<16xf32> to vector<16xf32>
        tpu.vector_store %swap3A_116[%swap3A_117], %swap3A_120 {strides = array<i32>} : memref<1280xf32, #tpu.memory_space<vmem>>, vector<16xf32>,
        %mul3A_121 = arith.constant 2 : i32
        %mul3A_122 = arith.muli %scan3A_74, %mul3A_121 : i32
        %add3A_123 = arith.constant 1 : i32
        %add3A_124 = arith.addi %mul3A_122, %add3A_123 : i32
        %mul3A_125 = arith.constant 128 : i32
        %mul3A_126 = arith.muli %while3A_47, %mul3A_125 : i32
        %mul3A_127 = arith.constant 16 : i32
        %mul3A_128 = arith.muli %add3A_124, %mul3A_127 : i32
        %add3A_129 = arith.addi %mul3A_126, %mul3A_128 : i32
        %get3A_130 = arith.constant 1920 : i32
        %get3A_131 = tpu.memref_slice %arg5[%get3A_130] : memref<3840xf32, #tpu.memory_space<vmem>> -> memref<640xf32, #tpu.memory_space<vmem>>
        %get3A_132 = arith.index_cast %add3A_129 : i32 to index
        %get3A_133 = tpu.vector_load %get3A_131[%get3A_132] {strides = array<i32>} : memref<640xf32, #tpu.memory_space<vmem>>, vector<16xf32>,
        %get3A_134 = vector.shape_cast %get3A_133 : vector<16xf32> to vector<16xf32>
        %mul3A_135 = arith.constant 128 : i32
        %mul3A_136 = arith.muli %while3A_47, %mul3A_135 : i32
        %mul3A_137 = arith.constant 16 : i32
        %mul3A_138 = arith.muli %add3A_124, %mul3A_137 : i32
        %add3A_139 = arith.addi %mul3A_136, %mul3A_138 : i32
        %get3A_140 = arith.constant 1280 : i32
        %get3A_141 = tpu.memref_slice %arg5[%get3A_140] : memref<3840xf32, #tpu.memory_space<vmem>> -> memref<640xf32, #tpu.memory_space<vmem>>
        %get3A_142 = arith.index_cast %add3A_139 : i32 to index
        %get3A_143 = tpu.vector_load %get3A_141[%get3A_142] {strides = array<i32>} : memref<640xf32, #tpu.memory_space<vmem>>, vector<16xf32>,
        %get3A_144 = vector.shape_cast %get3A_143 : vector<16xf32> to vector<16xf32>
        %gt3A_145 = arith.constant 4.000000e-01 : f32
        %gt3A_146 = vector.broadcast %gt3A_145 : f32 to vector<16xf32>
        %gt3A_147 = arith.cmpf ogt, %get3A_134, %gt3A_146 : vector<16xf32>
        %jit3A_148 = arith.constant 0.000000e+00 : f32
        %broadcast_in_dim3A_149 = vector.broadcast %jit3A_148 : f32 to vector<16xf32>
        %select_n3A_150 = arith.select %gt3A_147, %get3A_144, %broadcast_in_dim3A_149 : vector<16xi1>, vector<16xf32>
        %mul3A_151 = arith.constant 256 : i32
        %mul3A_152 = arith.muli %while3A_47, %mul3A_151 : i32
        %mul3A_153 = arith.constant 16 : i32
        %mul3A_154 = arith.muli %add3A_124, %mul3A_153 : i32
        %add3A_155 = arith.addi %mul3A_152, %mul3A_154 : i32
        %swap3A_156 = arith.constant 2560 : i32
        %swap3A_157 = tpu.memref_slice %arg5[%swap3A_156] : memref<3840xf32, #tpu.memory_space<vmem>> -> memref<1280xf32, #tpu.memory_space<vmem>>
        %swap3A_158 = arith.index_cast %add3A_155 : i32 to index
        %swap3A_159 = tpu.vector_load %swap3A_157[%swap3A_158] {strides = array<i32>} : memref<1280xf32, #tpu.memory_space<vmem>>, vector<16xf32>,
        %swap3A_160 = vector.shape_cast %swap3A_159 : vector<16xf32> to vector<16xf32>
        %swap3A_161 = vector.shape_cast %select_n3A_150 : vector<16xf32> to vector<16xf32>
        tpu.vector_store %swap3A_157[%swap3A_158], %swap3A_161 {strides = array<i32>} : memref<1280xf32, #tpu.memory_space<vmem>>, vector<16xf32>,
        %mul3A_162 = arith.constant 256 : i32
        %mul3A_163 = arith.muli %while3A_47, %mul3A_162 : i32
        %add3A_164 = arith.constant 128 : i32
        %add3A_165 = arith.addi %mul3A_163, %add3A_164 : i32
        %mul3A_166 = arith.constant 16 : i32
        %mul3A_167 = arith.muli %add3A_124, %mul3A_166 : i32
        %add3A_168 = arith.addi %add3A_165, %mul3A_167 : i32
        %swap3A_169 = arith.constant 2560 : i32
        %swap3A_170 = tpu.memref_slice %arg5[%swap3A_169] : memref<3840xf32, #tpu.memory_space<vmem>> -> memref<1280xf32, #tpu.memory_space<vmem>>
        %swap3A_171 = arith.index_cast %add3A_168 : i32 to index
        %swap3A_172 = tpu.vector_load %swap3A_170[%swap3A_171] {strides = array<i32>} : memref<1280xf32, #tpu.memory_space<vmem>>, vector<16xf32>,
        %swap3A_173 = vector.shape_cast %swap3A_172 : vector<16xf32> to vector<16xf32>
        %swap3A_174 = vector.shape_cast %select_n3A_150 : vector<16xf32> to vector<16xf32>
        tpu.vector_store %swap3A_170[%swap3A_171], %swap3A_174 {strides = array<i32>} : memref<1280xf32, #tpu.memory_space<vmem>>, vector<16xf32>,
      }
      %scan3A_61 = arith.constant 4 : i32
      %mul3A_62 = arith.constant 256 : i32
      %mul3A_63 = arith.muli %while3A_47, %mul3A_62 : i32
      %add3A_64 = arith.addi %add3A_4, %while3A_47 : i32
      %mul3A_65 = arith.constant 256 : i32
      %mul3A_66 = arith.muli %add3A_64, %mul3A_65 : i32
      %dma_start3A = arith.constant 2560 : i32
      %dma_start3A_67 = tpu.memref_slice %arg5[%dma_start3A] : memref<3840xf32, #tpu.memory_space<vmem>> -> memref<1280xf32, #tpu.memory_space<vmem>>
      %dma_start3A_68 = tpu.memref_slice %dma_start3A_67[%mul3A_63] : memref<1280xf32, #tpu.memory_space<vmem>> -> memref<256xf32, #tpu.memory_space<vmem>>
      %dma_start3A_69 = tpu.memref_slice %arg4[%mul3A_66] : memref<34816xf32, #tpu.memory_space<hbm>> -> memref<256xf32, #tpu.memory_space<hbm>>
      %dma_start3A_70 = tpu.memref_slice %arg4[%mul3A_66] : memref<34816xf32, #tpu.memory_space<hbm>> -> memref<256xf32, #tpu.memory_space<hbm>>
      %dma_start3A_71 = arith.constant 2560 : i32
      %dma_start3A_72 = tpu.memref_slice %arg5[%dma_start3A_71] : memref<3840xf32, #tpu.memory_space<vmem>> -> memref<1280xf32, #tpu.memory_space<vmem>>
      %dma_start3A_73 = tpu.memref_slice %dma_start3A_72[%mul3A_63] : memref<1280xf32, #tpu.memory_space<vmem>> -> memref<256xf32, #tpu.memory_space<vmem>>
      tpu.enqueue_dma source(%dma_start3A_73 : memref<256xf32, #tpu.memory_space<vmem>>) target(%dma_start3A_70 : memref<256xf32, #tpu.memory_space<hbm>>) target_semaphore(%arg9 : memref<!tpu.dma_semaphore, #tpu.memory_space<semaphore_mem>>)
    }
    %while3A_36 = arith.constant 1 : i32
    scf.for %while3A_47 = %while3A_34 to %while3A_30 step %while3A_36  : i32 {
      %mul3A_48 = arith.constant 128 : i32
      %mul3A_49 = arith.muli %while3A_47, %mul3A_48 : i32
      %mul3A_50 = arith.constant 128 : i32
      %mul3A_51 = arith.muli %while3A_47, %mul3A_50 : i32
      %dma_wait3A = arith.constant 1920 : i32
      %dma_wait3A_52 = tpu.memref_slice %arg5[%dma_wait3A] : memref<3840xf32, #tpu.memory_space<vmem>> -> memref<640xf32, #tpu.memory_space<vmem>>
      %dma_wait3A_53 = tpu.memref_slice %dma_wait3A_52[%mul3A_51] : memref<640xf32, #tpu.memory_space<vmem>> -> memref<128xf32, #tpu.memory_space<vmem>>
      %dma_wait3A_54 = tpu.memref_slice %arg6[%mul3A_49] : memref<640xi32, #tpu.memory_space<vmem>> -> memref<128xi32, #tpu.memory_space<vmem>>
      %dma_wait3A_55 = arith.constant 0 : i32
      %dma_wait3A_56 = tpu.memref_slice %arg3[%dma_wait3A_55] : memref<71303168xf32, #tpu.memory_space<hbm>> -> memref<71303168xf32, #tpu.memory_space<hbm>>
      tpu.wait_indirect_dma semaphore(%arg8 : memref<!tpu.dma_semaphore, #tpu.memory_space<semaphore_mem>>) src(%dma_wait3A_56 : memref<71303168xf32, #tpu.memory_space<hbm>>) dst(%dma_wait3A_53 : memref<128xf32, #tpu.memory_space<vmem>>)
      %scan3A = arith.constant 0 : i32
      %scan3A_57 = arith.constant 0 : i32
      %scan3A_58 = arith.constant 4 : i32
      %scan3A_59 = arith.addi %scan3A_57, %scan3A_58 : i32
      %scan3A_60 = arith.constant 1 : i32
      scf.for %scan3A_74 = %scan3A_57 to %scan3A_59 step %scan3A_60  : i32 {
        %mul3A_75 = arith.constant 2 : i32
        %mul3A_76 = arith.muli %scan3A_74, %mul3A_75 : i32
        %mul3A_77 = arith.constant 128 : i32
        %mul3A_78 = arith.muli %while3A_47, %mul3A_77 : i32
        %mul3A_79 = arith.constant 16 : i32
        %mul3A_80 = arith.muli %mul3A_76, %mul3A_79 : i32
        %add3A_81 = arith.addi %mul3A_78, %mul3A_80 : i32
        %get3A = arith.constant 1920 : i32
        %get3A_82 = tpu.memref_slice %arg5[%get3A] : memref<3840xf32, #tpu.memory_space<vmem>> -> memref<640xf32, #tpu.memory_space<vmem>>
        %get3A_83 = arith.index_cast %add3A_81 : i32 to index
        %get3A_84 = tpu.vector_load %get3A_82[%get3A_83] {strides = array<i32>} : memref<640xf32, #tpu.memory_space<vmem>>, vector<16xf32>,
        %get3A_85 = vector.shape_cast %get3A_84 : vector<16xf32> to vector<16xf32>
        %mul3A_86 = arith.constant 128 : i32
        %mul3A_87 = arith.muli %while3A_47, %mul3A_86 : i32
        %mul3A_88 = arith.constant 16 : i32
        %mul3A_89 = arith.muli %mul3A_76, %mul3A_88 : i32
        %add3A_90 = arith.addi %mul3A_87, %mul3A_89 : i32
        %get3A_91 = arith.constant 1280 : i32
        %get3A_92 = tpu.memref_slice %arg5[%get3A_91] : memref<3840xf32, #tpu.memory_space<vmem>> -> memref<640xf32, #tpu.memory_space<vmem>>
        %get3A_93 = arith.index_cast %add3A_90 : i32 to index
        %get3A_94 = tpu.vector_load %get3A_92[%get3A_93] {strides = array<i32>} : memref<640xf32, #tpu.memory_space<vmem>>, vector<16xf32>,
        %get3A_95 = vector.shape_cast %get3A_94 : vector<16xf32> to vector<16xf32>
        %gt3A = arith.constant 4.000000e-01 : f32
        %gt3A_96 = vector.broadcast %gt3A : f32 to vector<16xf32>
        %gt3A_97 = arith.cmpf ogt, %get3A_85, %gt3A_96 : vector<16xf32>
        %jit3A = arith.constant 0.000000e+00 : f32
        %broadcast_in_dim3A = vector.broadcast %jit3A : f32 to vector<16xf32>
        %select_n3A = arith.select %gt3A_97, %get3A_95, %broadcast_in_dim3A : vector<16xi1>, vector<16xf32>
        %mul3A_98 = arith.constant 256 : i32
        %mul3A_99 = arith.muli %while3A_47, %mul3A_98 : i32
        %mul3A_100 = arith.constant 16 : i32
        %mul3A_101 = arith.muli %mul3A_76, %mul3A_100 : i32
        %add3A_102 = arith.addi %mul3A_99, %mul3A_101 : i32
        %swap3A = arith.constant 2560 : i32
        %swap3A_103 = tpu.memref_slice %arg5[%swap3A] : memref<3840xf32, #tpu.memory_space<vmem>> -> memref<1280xf32, #tpu.memory_space<vmem>>
        %swap3A_104 = arith.index_cast %add3A_102 : i32 to index
        %swap3A_105 = tpu.vector_load %swap3A_103[%swap3A_104] {strides = array<i32>} : memref<1280xf32, #tpu.memory_space<vmem>>, vector<16xf32>,
        %swap3A_106 = vector.shape_cast %swap3A_105 : vector<16xf32> to vector<16xf32>
        %swap3A_107 = vector.shape_cast %select_n3A : vector<16xf32> to vector<16xf32>
        tpu.vector_store %swap3A_103[%swap3A_104], %swap3A_107 {strides = array<i32>} : memref<1280xf32, #tpu.memory_space<vmem>>, vector<16xf32>,
        %mul3A_108 = arith.constant 256 : i32
        %mul3A_109 = arith.muli %while3A_47, %mul3A_108 : i32
        %add3A_110 = arith.constant 128 : i32
        %add3A_111 = arith.addi %mul3A_109, %add3A_110 : i32
        %mul3A_112 = arith.constant 16 : i32
        %mul3A_113 = arith.muli %mul3A_76, %mul3A_112 : i32
        %add3A_114 = arith.addi %add3A_111, %mul3A_113 : i32
        %swap3A_115 = arith.constant 2560 : i32
        %swap3A_116 = tpu.memref_slice %arg5[%swap3A_115] : memref<3840xf32, #tpu.memory_space<vmem>> -> memref<1280xf32, #tpu.memory_space<vmem>>
        %swap3A_117 = arith.index_cast %add3A_114 : i32 to index
        %swap3A_118 = tpu.vector_load %swap3A_116[%swap3A_117] {strides = array<i32>} : memref<1280xf32, #tpu.memory_space<vmem>>, vector<16xf32>,
        %swap3A_119 = vector.shape_cast %swap3A_118 : vector<16xf32> to vector<16xf32>
        %swap3A_120 = vector.shape_cast %select_n3A : vector<16xf32> to vector<16xf32>
        tpu.vector_store %swap3A_116[%swap3A_117], %swap3A_120 {strides = array<i32>} : memref<1280xf32, #tpu.memory_space<vmem>>, vector<16xf32>,
        %mul3A_121 = arith.constant 2 : i32
        %mul3A_122 = arith.muli %scan3A_74, %mul3A_121 : i32
        %add3A_123 = arith.constant 1 : i32
        %add3A_124 = arith.addi %mul3A_122, %add3A_123 : i32
        %mul3A_125 = arith.constant 128 : i32
        %mul3A_126 = arith.muli %while3A_47, %mul3A_125 : i32
        %mul3A_127 = arith.constant 16 : i32
        %mul3A_128 = arith.muli %add3A_124, %mul3A_127 : i32
        %add3A_129 = arith.addi %mul3A_126, %mul3A_128 : i32
        %get3A_130 = arith.constant 1920 : i32
        %get3A_131 = tpu.memref_slice %arg5[%get3A_130] : memref<3840xf32, #tpu.memory_space<vmem>> -> memref<640xf32, #tpu.memory_space<vmem>>
        %get3A_132 = arith.index_cast %add3A_129 : i32 to index
        %get3A_133 = tpu.vector_load %get3A_131[%get3A_132] {strides = array<i32>} : memref<640xf32, #tpu.memory_space<vmem>>, vector<16xf32>,
        %get3A_134 = vector.shape_cast %get3A_133 : vector<16xf32> to vector<16xf32>
        %mul3A_135 = arith.constant 128 : i32
        %mul3A_136 = arith.muli %while3A_47, %mul3A_135 : i32
        %mul3A_137 = arith.constant 16 : i32
        %mul3A_138 = arith.muli %add3A_124, %mul3A_137 : i32
        %add3A_139 = arith.addi %mul3A_136, %mul3A_138 : i32
        %get3A_140 = arith.constant 1280 : i32
        %get3A_141 = tpu.memref_slice %arg5[%get3A_140] : memref<3840xf32, #tpu.memory_space<vmem>> -> memref<640xf32, #tpu.memory_space<vmem>>
        %get3A_142 = arith.index_cast %add3A_139 : i32 to index
        %get3A_143 = tpu.vector_load %get3A_141[%get3A_142] {strides = array<i32>} : memref<640xf32, #tpu.memory_space<vmem>>, vector<16xf32>,
        %get3A_144 = vector.shape_cast %get3A_143 : vector<16xf32> to vector<16xf32>
        %gt3A_145 = arith.constant 4.000000e-01 : f32
        %gt3A_146 = vector.broadcast %gt3A_145 : f32 to vector<16xf32>
        %gt3A_147 = arith.cmpf ogt, %get3A_134, %gt3A_146 : vector<16xf32>
        %jit3A_148 = arith.constant 0.000000e+00 : f32
        %broadcast_in_dim3A_149 = vector.broadcast %jit3A_148 : f32 to vector<16xf32>
        %select_n3A_150 = arith.select %gt3A_147, %get3A_144, %broadcast_in_dim3A_149 : vector<16xi1>, vector<16xf32>
        %mul3A_151 = arith.constant 256 : i32
        %mul3A_152 = arith.muli %while3A_47, %mul3A_151 : i32
        %mul3A_153 = arith.constant 16 : i32
        %mul3A_154 = arith.muli %add3A_124, %mul3A_153 : i32
        %add3A_155 = arith.addi %mul3A_152, %mul3A_154 : i32
        %swap3A_156 = arith.constant 2560 : i32
        %swap3A_157 = tpu.memref_slice %arg5[%swap3A_156] : memref<3840xf32, #tpu.memory_space<vmem>> -> memref<1280xf32, #tpu.memory_space<vmem>>
        %swap3A_158 = arith.index_cast %add3A_155 : i32 to index
        %swap3A_159 = tpu.vector_load %swap3A_157[%swap3A_158] {strides = array<i32>} : memref<1280xf32, #tpu.memory_space<vmem>>, vector<16xf32>,
        %swap3A_160 = vector.shape_cast %swap3A_159 : vector<16xf32> to vector<16xf32>
        %swap3A_161 = vector.shape_cast %select_n3A_150 : vector<16xf32> to vector<16xf32>
        tpu.vector_store %swap3A_157[%swap3A_158], %swap3A_161 {strides = array<i32>} : memref<1280xf32, #tpu.memory_space<vmem>>, vector<16xf32>,
        %mul3A_162 = arith.constant 256 : i32
        %mul3A_163 = arith.muli %while3A_47, %mul3A_162 : i32
        %add3A_164 = arith.constant 128 : i32
        %add3A_165 = arith.addi %mul3A_163, %add3A_164 : i32
        %mul3A_166 = arith.constant 16 : i32
        %mul3A_167 = arith.muli %add3A_124, %mul3A_166 : i32
        %add3A_168 = arith.addi %add3A_165, %mul3A_167 : i32
        %swap3A_169 = arith.constant 2560 : i32
        %swap3A_170 = tpu.memref_slice %arg5[%swap3A_169] : memref<3840xf32, #tpu.memory_space<vmem>> -> memref<1280xf32, #tpu.memory_space<vmem>>
        %swap3A_171 = arith.index_cast %add3A_168 : i32 to index
        %swap3A_172 = tpu.vector_load %swap3A_170[%swap3A_171] {strides = array<i32>} : memref<1280xf32, #tpu.memory_space<vmem>>, vector<16xf32>,
        %swap3A_173 = vector.shape_cast %swap3A_172 : vector<16xf32> to vector<16xf32>
        %swap3A_174 = vector.shape_cast %select_n3A_150 : vector<16xf32> to vector<16xf32>
        tpu.vector_store %swap3A_170[%swap3A_171], %swap3A_174 {strides = array<i32>} : memref<1280xf32, #tpu.memory_space<vmem>>, vector<16xf32>,
      }
      %scan3A_61 = arith.constant 4 : i32
      %mul3A_62 = arith.constant 256 : i32
      %mul3A_63 = arith.muli %while3A_47, %mul3A_62 : i32
      %add3A_64 = arith.addi %add3A_4, %while3A_47 : i32
      %mul3A_65 = arith.constant 256 : i32
      %mul3A_66 = arith.muli %add3A_64, %mul3A_65 : i32
      %dma_start3A = arith.constant 2560 : i32
      %dma_start3A_67 = tpu.memref_slice %arg5[%dma_start3A] : memref<3840xf32, #tpu.memory_space<vmem>> -> memref<1280xf32, #tpu.memory_space<vmem>>
      %dma_start3A_68 = tpu.memref_slice %dma_start3A_67[%mul3A_63] : memref<1280xf32, #tpu.memory_space<vmem>> -> memref<256xf32, #tpu.memory_space<vmem>>
      %dma_start3A_69 = tpu.memref_slice %arg4[%mul3A_66] : memref<34816xf32, #tpu.memory_space<hbm>> -> memref<256xf32, #tpu.memory_space<hbm>>
      %dma_start3A_70 = tpu.memref_slice %arg4[%mul3A_66] : memref<34816xf32, #tpu.memory_space<hbm>> -> memref<256xf32, #tpu.memory_space<hbm>>
      %dma_start3A_71 = arith.constant 2560 : i32
      %dma_start3A_72 = tpu.memref_slice %arg5[%dma_start3A_71] : memref<3840xf32, #tpu.memory_space<vmem>> -> memref<1280xf32, #tpu.memory_space<vmem>>
      %dma_start3A_73 = tpu.memref_slice %dma_start3A_72[%mul3A_63] : memref<1280xf32, #tpu.memory_space<vmem>> -> memref<256xf32, #tpu.memory_space<vmem>>
      tpu.enqueue_dma source(%dma_start3A_73 : memref<256xf32, #tpu.memory_space<vmem>>) target(%dma_start3A_70 : memref<256xf32, #tpu.memory_space<hbm>>) target_semaphore(%arg9 : memref<!tpu.dma_semaphore, #tpu.memory_space<semaphore_mem>>)
    }
    %while3A_37 = arith.constant 0 : i32
    %while3A_38 = arith.constant 0 : i32
    %while3A_39 = arith.subi %add3A_7, %while3A_38 : i32
    %while3A_40 = arith.addi %while3A_38, %while3A_39 : i32
    %while3A_41 = arith.constant 1 : i32
    %while3A_42 = arith.divsi %while3A_39, %while3A_41 : i32
    %while3A_43 = arith.muli %while3A_42, %while3A_41 : i32
    %while3A_44 = arith.addi %while3A_38, %while3A_43 : i32
    %while3A_45 = arith.constant 1 : i32
    scf.for %while3A_47 = %while3A_38 to %while3A_44 step %while3A_45  : i32 {
      %mul3A_48 = arith.constant 256 : i32
      %mul3A_49 = arith.muli %while3A_47, %mul3A_48 : i32
      %add3A_50 = arith.addi %add3A_4, %while3A_47 : i32
      %mul3A_51 = arith.constant 256 : i32
      %mul3A_52 = arith.muli %add3A_50, %mul3A_51 : i32
      %dma_wait3A = arith.constant 2560 : i32
      %dma_wait3A_53 = tpu.memref_slice %arg5[%dma_wait3A] : memref<3840xf32, #tpu.memory_space<vmem>> -> memref<1280xf32, #tpu.memory_space<vmem>>
      %dma_wait3A_54 = tpu.memref_slice %dma_wait3A_53[%mul3A_49] : memref<1280xf32, #tpu.memory_space<vmem>> -> memref<256xf32, #tpu.memory_space<vmem>>
      %dma_wait3A_55 = tpu.memref_slice %arg4[%mul3A_52] : memref<34816xf32, #tpu.memory_space<hbm>> -> memref<256xf32, #tpu.memory_space<hbm>>
      %dma_wait3A_56 = tpu.memref_slice %arg4[%mul3A_52] : memref<34816xf32, #tpu.memory_space<hbm>> -> memref<256xf32, #tpu.memory_space<hbm>>
      %dma_wait3A_57 = arith.constant 2560 : i32
      %dma_wait3A_58 = tpu.memref_slice %arg5[%dma_wait3A_57] : memref<3840xf32, #tpu.memory_space<vmem>> -> memref<1280xf32, #tpu.memory_space<vmem>>
      %dma_wait3A_59 = tpu.memref_slice %dma_wait3A_58[%mul3A_49] : memref<1280xf32, #tpu.memory_space<vmem>> -> memref<256xf32, #tpu.memory_space<vmem>>
      tpu.wait_dma2 semaphore(%arg9 : memref<!tpu.dma_semaphore, #tpu.memory_space<semaphore_mem>>) src(%dma_wait3A_59 : memref<256xf32, #tpu.memory_space<vmem>>) dst(%dma_wait3A_56 : memref<256xf32, #tpu.memory_space<hbm>>)
    }
    %while3A_46 = arith.constant 1 : i32
    scf.for %while3A_47 = %while3A_44 to %while3A_40 step %while3A_46  : i32 {
      %mul3A_48 = arith.constant 256 : i32
      %mul3A_49 = arith.muli %while3A_47, %mul3A_48 : i32
      %add3A_50 = arith.addi %add3A_4, %while3A_47 : i32
      %mul3A_51 = arith.constant 256 : i32
      %mul3A_52 = arith.muli %add3A_50, %mul3A_51 : i32
      %dma_wait3A = arith.constant 2560 : i32
      %dma_wait3A_53 = tpu.memref_slice %arg5[%dma_wait3A] : memref<3840xf32, #tpu.memory_space<vmem>> -> memref<1280xf32, #tpu.memory_space<vmem>>
      %dma_wait3A_54 = tpu.memref_slice %dma_wait3A_53[%mul3A_49] : memref<1280xf32, #tpu.memory_space<vmem>> -> memref<256xf32, #tpu.memory_space<vmem>>
      %dma_wait3A_55 = tpu.memref_slice %arg4[%mul3A_52] : memref<34816xf32, #tpu.memory_space<hbm>> -> memref<256xf32, #tpu.memory_space<hbm>>
      %dma_wait3A_56 = tpu.memref_slice %arg4[%mul3A_52] : memref<34816xf32, #tpu.memory_space<hbm>> -> memref<256xf32, #tpu.memory_space<hbm>>
      %dma_wait3A_57 = arith.constant 2560 : i32
      %dma_wait3A_58 = tpu.memref_slice %arg5[%dma_wait3A_57] : memref<3840xf32, #tpu.memory_space<vmem>> -> memref<1280xf32, #tpu.memory_space<vmem>>
      %dma_wait3A_59 = tpu.memref_slice %dma_wait3A_58[%mul3A_49] : memref<1280xf32, #tpu.memory_space<vmem>> -> memref<256xf32, #tpu.memory_space<vmem>>
      tpu.wait_dma2 semaphore(%arg9 : memref<!tpu.dma_semaphore, #tpu.memory_space<semaphore_mem>>) src(%dma_wait3A_59 : memref<256xf32, #tpu.memory_space<vmem>>) dst(%dma_wait3A_56 : memref<256xf32, #tpu.memory_space<hbm>>)
    }
    return
  }
}

</mosaic_0001>

<sc_bundles>
// kernel: kernel.3.cloned.1.call-start
scs
__scs_entry_jumppad:
0x0: {  	(pc) =	sbr.rel $0x88, $3  }
0x1: {  	(tag) =	ssettag $0x0;
	lr =	simm.s32 $0x1  }
0x2: {  	[smem:$0x3F9F] =	sst lr;
	_ =	strace $0xD0000000  }
0x3: {  	_ = 	snop  }
0x4: {  	_ = 	snop  }
0x5: {  	_ = 	snop  }
0x6: {  	_ = 	snop  }
0x7: {  	_ = 	snop  }
__scs_overlays_trampoline_lowered:
0x8: {  	[smem:$0x3FAE] =	sst s0  }
0x9: {  	[smem:$0x3FAF] =	sst s1  }
0xa: {  	[smem:$0x3FB0] =	sst s2  }
0xb: {  	[smem:$0x3FB1] =	sst s3  }
0xc: {  	[smem:$0x3FB2] =	sst s4  }
0xd: {  	[smem:$0x3FB3] =	sst s5  }
0xe: {  	[smem:$0x3FB4] =	sst s6  }
0xf: {  	[smem:$0x3FB5] =	sst s7  }
0x10: {  	[smem:$0x3FB6] =	sst s8  }
0x11: {  	[smem:$0x3FB7] =	sst s9;
	s0 =	simm.s32 @!p0 $0x0  }
0x12: {  	s1 =	sld [smem:$0x3F9D];
	s0 =	simm.s32 @p0 $0x1  }
0x13: {  	[smem:$0x3FB8] =	sst s0;
	s0 =	simm.s32 @!p1 $0x0  }
0x14: {  	s2 =	sld [smem:$0x3F9C];
	s0 =	simm.s32 @p1 $0x1  }
0x15: {  	[smem:$0x3FB9] =	sst s0;
	s0 =	simm.s32 @!p2 $0x0  }
0x16: {  	s3 =	sld [smem:$0x3FDB];
	s0 =	simm.s32 @p2 $0x1  }
0x17: {  	s4 =	simm.s32 $0x1BF5;
	[smem:$0x3FBB] =	sst s0  }
0x18: {  	s0 =	sld [smem:$0x3F9E];
	_ =	swait.ge [sflag:s4], $0x0  }
0x19: {  	s7 =	sld [smem:$0x3F9F]  }
0x1a: {  	s8 =	sadd.s32 $0xFFFFE003, lr  }
0x1b: {  	s9 =	sadd.s32 $0xFFFFFEF7, lr;
	s5 =	simm.s32 $0xFFFFFFFF;
	p2 =	slt.u32 s8, $0xFFFFF086  }
0x1c: {  	p1 =	slt.u32 s9, $0xF7A;
	s5 =	simm.s32 @!p2 $0x0  }
0x1d: {  	s5 =	simm.s32 @p1 $0x1;
	p0 =	seq.s32 s7, s2  }
0x1e: {  	s7 =	smul.u32 @!p0 $0xF7A, s2;
	p2 =	seq.s32 @!p0 s5, $0x0  }
0x1f: {  	s9 =	smul.u32 $0xF7A, s1;
	s8 =	simm.s32 @!p0 $0x1BF5;
	p2 =	por !p2, p0  }
0x20: {  	[sflag:s8] =	ssyncset.s32 @!p0 $0xFFFFF086;
	s6 =	sadd.s32 @!p0 s3, s7;
	s7 =	simm.s32 @!p0 $0x108  }
0x21: {  	s3 =	sadd.s32 s3, s9;
	s6 =	sadd.s32 @!p0 $0x88, s6;
	s7 =	simm.s32 @p2 $0x1082  }
0x22: {  	[simem:s7], [sflag:s8] =	dma.local @!p0 [hbm:s6], $0xF7A  }
0x23: {  	s9 =	sor.u32 $0xD0000000, s2;
	s6 =	simm.s32 $0x108;
	_ =	swait.ge @!p0 [sflag:s8], $0x0  }
0x24: {  	s3 =	sadd.s32 $0x88, s3;
	s6 =	simm.s32 @!p1 $0x1082;
	[sflag:s4] =	ssyncset.s32 $0xFFFFF086  }
0x25: {  	[simem:s6], [sflag:s4] =	dma.local [hbm:s3], $0xF7A  }
0x26: {  	[smem:$0x3F9F] =	sst s1;
	(tag) =	ssettag s2;
	_ =	strace s9  }
0x27: {  	s1 =	sld [smem:$0x3FAF]  }
0x28: {  	s2 =	sld [smem:$0x3FB0]  }
0x29: {  	s4 =	sld [smem:$0x3FB2]  }
0x2a: {  	p0 =	seq.s32 s5, $0x0;
	s5 =	sld [smem:$0x3FB3]  }
0x2b: {  	s6 =	sld [smem:$0x3FB4]  }
0x2c: {  	s7 =	sld [smem:$0x3FB5]  }
0x2d: {  	s3 =	simm.s32 $0x108;
	s8 =	sld [smem:$0x3FB6]  }
0x2e: {  	s3 =	simm.s32 @!p0 $0x1082;
	s9 =	sld [smem:$0x3FB7]  }
0x2f: {  	lr =	sadd.s32 s0, s3;
	s0 =	sld [smem:$0x3FAE]  }
0x30: {  	s3 =	sld [smem:$0x3FB1]  }
0x31: {  	[smem:$0x3FBA] =	sst s10  }
0x32: {  	s10 =	sld [smem:$0x3FB8];
	_ =	sdelay $0x3  }
0x33: {  	p0 =	seq.s32 s10, $0x1;
	s10 =	sld [smem:$0x3FBA];
	_ =	sdelay $0x3  }
0x34: {  	[smem:$0x3FBA] =	sst s10  }
0x35: {  	s10 =	sld [smem:$0x3FB9];
	_ =	sdelay $0x3  }
0x36: {  	p1 =	seq.s32 s10, $0x1;
	s10 =	sld [smem:$0x3FBA];
	_ =	sdelay $0x3  }
0x37: {  	[smem:$0x3FBA] =	sst s10  }
0x38: {  	s10 =	sld [smem:$0x3FBB]  }
0x39: {  	_ = 	snop;
	(pc) =	sbr.ind lr, $3  }
0x3a: {  	_ = 	snop  }
0x3b: {  	_ = 	snop  }
0x3c: {  	p2 =	seq.s32 s10, $0x1;
	s10 =	sld [smem:$0x3FBA]  }
0x3d: {  	_ =	shalt  }
0x3e: {  	_ =	shalt  }
0x3f: {  	_ =	shalt  }
0x40: {  	_ =	shalt  }
0x41: {  	_ =	shalt  }
0x42: {  	_ =	shalt  }
0x43: {  	_ =	shalt  }
0x44: {  	_ =	shalt  }
0x45: {  	_ =	shalt  }
0x46: {  	_ =	shalt  }
0x47: {  	_ =	shalt  }
0x48: {  	_ =	shalt  }
0x49: {  	_ =	shalt  }
0x4a: {  	_ =	shalt  }
0x4b: {  	_ =	shalt  }
0x4c: {  	_ =	shalt  }
0x4d: {  	_ =	shalt  }
0x4e: {  	_ =	shalt  }
0x4f: {  	_ =	shalt  }
0x50: {  	_ =	shalt  }
0x51: {  	_ =	shalt  }
0x52: {  	_ =	shalt  }
0x53: {  	_ =	shalt  }
0x54: {  	_ =	shalt  }
0x55: {  	_ =	shalt  }
0x56: {  	_ =	shalt  }
0x57: {  	_ =	shalt  }
0x58: {  	_ =	shalt  }
0x59: {  	_ =	shalt  }
0x5a: {  	_ =	shalt  }
0x5b: {  	_ =	shalt  }
0x5c: {  	_ =	shalt  }
0x5d: {  	_ =	shalt  }
0x5e: {  	_ =	shalt  }
0x5f: {  	_ =	shalt  }
0x60: {  	_ =	shalt  }
0x61: {  	_ =	shalt  }
0x62: {  	_ =	shalt  }
0x63: {  	_ =	shalt  }
0x64: {  	_ =	shalt  }
0x65: {  	_ =	shalt  }
0x66: {  	_ =	shalt  }
0x67: {  	_ =	shalt  }
0x68: {  	_ =	shalt  }
0x69: {  	_ =	shalt  }
0x6a: {  	_ =	shalt  }
0x6b: {  	_ =	shalt  }
0x6c: {  	_ =	shalt  }
0x6d: {  	_ =	shalt  }
0x6e: {  	_ =	shalt  }
0x6f: {  	_ =	shalt  }
0x70: {  	_ =	shalt  }
0x71: {  	_ =	shalt  }
0x72: {  	_ =	shalt  }
0x73: {  	_ =	shalt  }
0x74: {  	_ =	shalt  }
0x75: {  	_ =	shalt  }
0x76: {  	_ =	shalt  }
0x77: {  	_ =	shalt  }
0x78: {  	_ =	shalt  }
0x79: {  	_ =	shalt  }
0x7a: {  	_ =	shalt  }
0x7b: {  	_ =	shalt  }
0x7c: {  	_ =	shalt  }
0x7d: {  	_ =	shalt  }
0x7e: {  	_ =	shalt  }
0x7f: {  	_ =	shalt  }
0x80: {  	_ =	shalt  }
0x81: {  	_ =	shalt  }
0x82: {  	_ =	shalt  }
0x83: {  	_ =	shalt  }
0x84: {  	_ =	shalt  }
0x85: {  	_ =	shalt  }
0x86: {  	_ =	shalt  }
0x87: {  	_ =	shalt  }
.Lfunc_end0:
.L_simem_size_0:
called_computation_lowered:
.L_overlay_start_0:
0x88: {  	s2 =	sld [smem:$0x3FD9]  }
0x89: {  	s3 =	sld [smem:$0x3FFE];
	_ =	sdelay $0x1  }
0x8a: {  	s1 =	srdreg.scid  }
0x8b: {  	s0 =	sand.u32 $0x1, s1  }
0x8c: {  	s18 =	sshll.u32 s0, $0xA;
	s2 =	sadd.s32 s3, s2  }
0x8d: {  	s2 =	sadd.s32 s2, s18  }
0x8e: {  	[smem:$0x3FC6] =	sst s2  }
0x8f: {  	_ = 	snop  }
0x90: {  	s2 =	sld [smem:$0x3FC9]  }
0x91: {  	s19 =	sld [smem:$0x3FC8]  }
0x92: {  	s4 =	sld [smem:$0x3FD0];
	(tm) =	ssettm $0x1  }
0x93: {  	s5 =	sld [smem:$0x3FFB];
	_ =	sdelay $0x3  }
0x94: {  	_ =	strace s5  }
0x95: {  	s5 =	sld [smem:$0x3FFC];
	_ =	sdelay $0x3  }
0x96: {  	_ =	strace s5  }
0x97: {  	s5 =	sld [smem:$0x3FFD];
	_ =	sdelay $0x3  }
0x98: {  	_ =	strace s5  }
0x99: {  	_ =	strace $0x8FFFFFFF  }
0x9a: {  	s20 =	sld [smem:$0x3FDB];
	_ =	sdelay $0x1  }
0x9b: {  	s6 =	simm.s32 $_scs_section_size  }
0x9c: {  	s7 =	simm.s32 $_size__tile_overlayer_lowered;
	s8 =	simm.s32 $_tile_overlayer_lowered  }
0x9d: {  	s23 =	simm.s32 $0x1BFF;
	s22 =	sshll.u32 s8, $0x1;
	s5 =	sadd.s32 s6, s20  }
0x9e: {  	s9 =	simm.s32 $0x0;
	s21 =	sshll.u32 s7, $0x1;
	s7 =	sadd.s32 s22, s5  }
0x9f: {  	[timem:s9], [sflag:s23] =	dma.local [hbm:s7], s21  }
0xa0: {  	_ =	swait.ge [sflag:s23], s21  }
0xa1: {  	s6 =	ssub.s32 $0x0, s21;
	[sflag:s23] =	ssyncset.done $0x0  }
0xa2: {  	[sflag:s23] =	ssyncadd.s32 s6;
	_ =	sdelay $0x1  }
0xa3: {  	s24 =	simm.s32 $0x1B8B  }
0xa4: {  	_ =	swait.ge [sflag:s24], $0x1  }
0xa5: {  	[sflag:s24] =	ssyncset.done $0x0  }
0xa6: {  	s25 =	simm.s32 $0x1B8E;
	[sflag:s24] =	ssyncadd.s32 $0xFFFFFFFF  }
0xa7: {  	s26 =	simm.s32 $execute0_lowered;
	[smem:$0x3FD2] =	sst s25  }
0xa8: {  	s6 =	sshll.u32 s26, $0x1;
	_ =	strace $0x80000046;
	[dreg:$0x1] =	wrdreg $0xFFFFFFFF  }
0xa9: {  	s28 =	simm.s32 $_size_execute0_lowered;
	s5 =	sadd.s32 s5, s6;
	[dreg:$0x0] =	wrdreg $0x0  }
0xaa: {  	s6 =	sshll.u32 s28, $0x1;
	[dreg:$0x2] =	wrdreg s5  }
0xab: {  	[dreg:$0x3] =	wrdreg s6  }
0xac: {  	[dreg:$0x4] =	wrdreg $0xC0  }
0xad: {  	_ =	task [dreg:s9], $0x5FFFF  }
0xae: {  	[dreg:$0x1] =	wrdreg $0xFFFFFFFF  }
0xaf: {  	[dreg:$0x0] =	wrdreg $0x60  }
0xb0: {  	[dreg:$0x2] =	wrdreg s2  }
0xb1: {  	[dreg:$0x3] =	wrdreg s19  }
0xb2: {  	[dreg:$0x4] =	wrdreg s4  }
0xb3: {  	[dreg:$0x5] =	wrdreg $0x9  }
0xb4: {  	_ =	task.clear_ibuf [dreg:s9], $0x6FFFF;
	_ =	strace $0x90000046  }
0xb5: {  	s29 =	simm.s32 $0x9;
	_ =	strace $0x80000048  }
0xb6: {  	_ =	swait.ge [sflag:s29], $0x1  }
0xb7: {  	[sflag:s29] =	ssyncadd.s32 $0xFFFFFFFF  }
0xb8: {  	_ =	strace $0x90000048  }
0xb9: {  	_ =	sfence  }
0xba: {  	s30 =	sld [smem:$0x0];
	_ =	sdelay $0x2  }
0xbb: {  	s31 =	sshll.u32 s1, $0xD;
	s1 =	sshrl.u32 s1, $0x2  }
0xbc: {  	s3 =	sand.u32 $0x4000, s31;
	s1 =	sadd.s32 s1, s30  }
0xbd: {  	s0 =	sor.u32 s3, s0;
	s1 =	sshll.u32 s1, $0x11  }
0xbe: {  	s0 =	sor.u32 s1, s0  }
0xbf: {  	s0 =	sadd.s32 $0x8F2B, s0  }
0xc0: {  	[sflag:s0] =	ssyncadd.remote.s32 $0x1  }
0xc1: {  	_ =	sfence.sel $0xFFFF  }
0xc2: {  	[dreg:$0x0] =	wrdreg $0xFFFFFFFF;
	(pc) =	sbr.abs _section_cstart, $3  }
0xc3: {  	[dreg:$0x1] =	wrdreg $0xFFFFFFFF  }
0xc4: {  	_ =	task.clear_ibuf [dreg:s9], $0x2FFFF;
	_ =	strace $0x9FFFFFFF  }
0xc5: {  	(tm) =	ssettm $0x7FFFFFFF  }
tec
execute0_lowered:
.L_overlay_start_1:
0x0: {  	(tag) =	ssettag $0x1  }
0x1: {  	s7 =	rddreg [dreg:$0x0]  }
0x2: {  	s1 =	rddreg [dreg:$0x1]  }
0x3: {  	s8 =	rddreg [dreg:$0x2];
	s2 =	srdreg.scid  }
0x4: {  	s0 =	rddreg [dreg:$0x3];
	s3 =	simm.s32 $0x0;
	s12 =	simm.s32 $0x3  }
0x5: {  	s13 =	simm.s32 $0x0;
	s4 =	sand.u32 $0x1, s2;
	[smem:$0x7FF] =	sst s3  }
0x6: {  	s2 =	stileid.u32;
	s5 =	ssub.s32 $0x2, s4;
	_ =	strace $0x80000047  }
0x7: {  	s9 =	sshll.u32 s2, $0x1;
	s10 =	sshll.u32 s2, $0x3;
	p0 =	slt.u32 s2, $0x4  }
0x8: {  	s6 =	sshrl.u32 s5, $0x1;
	s9 =	sor.u32 s4, s9;
	s4 =	sshll.u32 s4, $0x2  }
0x9: {  	s11 =	sshll.u32 s9, $0x2;
	s9 =	smin.u32 s9, $0x8;
	s10 =	sor.u32 s4, s10  }
0xa: {  	s6 =	ssub.s32 s5, s6;
	s5 =	simm.s32 $0x5;
	s4 =	sadd.s32 s9, s11  }
0xb: {  	s9 =	sadd.s32 s9, s10;
	s5 =	simm.s32 @!p0 $0x4;
	s6 =	smax.u32 s6, $0x1  }
0xc: {  	s10 =	simm.s32 $0x80;
	s11 =	simm.s32 $0x2;
	s9 =	sshll.u32 s9, $0x5  }
0xd: {  	v0 =	vlaneseq.u32;
	v1 =	vimm.f32 $0.0e+00;
	s7 =	sadd.s32 s9, s7;
	s8 =	sadd.s32 s9, s8;
	s9 =	simm.s32 $0x1  }
.LBB2_1:
0xe: {  	s15 =	smov.u32 s7;
	s16 =	simm.s32 $0x0;
	s17 =	smov.u32 s5  }
.LBB2_2:
0xf: {  	p0 =	sne.s32 s17, $0x1  }
.Ltmp0:
0x10: {  	_ = 	snop;
	(pc) =	sbr.rel @p0 .LBB2_2-.Ltmp0, $4  }
0x11: {  	_ = 	snop  }
0x12: {  	s14 =	simm.s32 $0x0  }
0x13: {  	[tilespmem:s16], [sflag:$0x1] =	stream.linear.gather [hbm4b:s15+s14], $0x100, $0x38;
	[tilespmem:$0x1180] =	vst v63  }
0x14: {  	s17 =	sadd.s32 $0xFFFFFFFF, s17;
	s16 =	sadd.s32 $0x100, s16;
	s15 =	sadd.s32 $0x20, s15  }
0x15: {  	s15 =	simm.s32 $0x510  }
0x16: {  	s16 =	simm.s32 $0x90;
	s17 =	simm.s32 $0xF10;
	s18 =	simm.s32 $0x0  }
.LBB2_4:
0x17: {  	_ =	swait.ge [sflag:s9], $0x100  }
0x18: {  	[sflag:s9] =	ssyncset.done $0x0  }
0x19: {  	[sflag:s9] =	ssyncadd.s32 $0xFFFFFF00  }
0x1a: {  	v2 =	vld [tilespmem:s16+$0xFFFFFF70]  }
0x1b: {  	v3 =	vld [tilespmem:s16+$0xFFFFFFF0];
	_ =	sdelay $0x4  }
0x1c: {  	v2 =	vmul.f32 $3.200000000e+01, v2;
	v3 =	vmul.f32 $3.200000000e+01, v3;
	_ =	sdelay $0x1  }
0x1d: {  	v2 =	vadd.f32 $3.200000000e+01, v2;
	v3 =	vadd.f32 $3.200000000e+01, v3  }
0x1e: {  	s19 =	sadd.s32 s4, s18  }
0x1f: {  	s20 =	sshll.u32 s19, $0x13;
	s19 =	sshll.u32 s19, $0xA;
	v2 =	vtrunc.f32 v2;
	v3 =	vtrunc.f32 v3  }
0x20: {  	s20 =	sand.u32 $0xFFC00000, s20;
	s19 =	sand.u32 $0x1C00, s19;
	v4 =	vcvt.f32.s32 v2;
	v3 =	vcvt.f32.s32 v3  }
0x21: {  	s19 =	sor.u32 s19, s20  }
0x22: {  	v2 =	vor.u32 s19, v0;
	vm0 =	vlt.s32 v4, $0x3F;
	vm1 =	vlt.s32 v3, $0x3F  }
0x23: {  	vm2 =	vlt.s32 v4, $0x40;
	v4 =	vnsel vm0, $0x3F, v4;
	v5 =	vnsel vm1, $0x3F, v3  }
0x24: {  	v7 =	vadd.s32 s14, v2;
	v6 =	vshll.u32 v4, $0xA;
	v5 =	vshll.u32 v5, $0x10  }
0x25: {  	v4 =	vshll.u32 v4, $0x7;
	v5 =	vadd.s32 v5, v7;
	v6 =	vand.u32 $0xFFFFE000, v6  }
0x26: {  	vm12 =	vlt.s32 v3, $0x40;
	v3 =	vand.u32 $0x380, v4;
	v4 =	vadd.s32 v6, v5  }
0x27: {  	vm0 =	vmand vm2, vm12;
	v3 =	vadd.s32 v3, v4  }
0x28: {  	[tilespmem:s17+$0xFFFFFFF0] =	vst v3;
	v3 =	vsel vm0, $0x3F800000, v1  }
0x29: {  	[tilespmem:s15+$0xFFFFFFF0] =	vst v3  }
0x2a: {  	v3 =	vld [tilespmem:s16+$0x0]  }
0x2b: {  	v4 =	vld [tilespmem:s16+$0xFFFFFF80];
	_ =	sdelay $0x4  }
0x2c: {  	v3 =	vmul.f32 $3.200000000e+01, v3;
	v4 =	vmul.f32 $3.200000000e+01, v4;
	_ =	sdelay $0x1  }
0x2d: {  	v3 =	vadd.f32 $3.200000000e+01, v3;
	v4 =	vadd.f32 $3.200000000e+01, v4;
	_ =	sdelay $0x1  }
0x2e: {  	v3 =	vtrunc.f32 v3;
	v4 =	vtrunc.f32 v4  }
0x2f: {  	v3 =	vcvt.f32.s32 v3;
	v4 =	vcvt.f32.s32 v4;
	_ =	sdelay $0x1  }
0x30: {  	vm13 =	vlt.s32 v3, $0x40;
	vm14 =	vlt.s32 v3, $0x3F;
	vm15 =	vlt.s32 v4, $0x3F  }
0x31: {  	s31 =	simm.s32 $0x10;
	vm3 =	vlt.s32 v4, $0x40;
	v3 =	vnsel vm14, $0x3F, v3;
	v4 =	vnsel vm15, $0x3F, v4  }
0x32: {  	v5 =	vadd.s32 s31, v2;
	v3 =	vshll.u32 v3, $0x10;
	v6 =	vshll.u32 v4, $0xA  }
0x33: {  	v4 =	vshll.u32 v4, $0x7;
	v3 =	vadd.s32 v3, v5;
	v5 =	vand.u32 $0xFFFFE000, v6  }
0x34: {  	s21 =	smov.u32 s17;
	s22 =	smov.u32 s15;
	s24 =	smov.u32 s16;
	vm0 =	vmand vm3, vm13;
	v4 =	vand.u32 $0x380, v4;
	v3 =	vadd.s32 v5, v3  }
0x35: {  	s23 =	smov.u32 s15;
	s20 =	simm.s32 $0x20;
	s19 =	sshll.u32 s18, $0x7;
	v4 =	vadd.s32 v4, v3;
	v3 =	vsel vm0, $0x3F800000, v1  }
.LBB2_5:
0x36: {  	s22 =	sadd.s32 $0x20, s22  }
0x37: {  	[tilespmem:s21+$0x0] =	vst v4;
	s24 =	sadd.s32 $0x20, s24;
	s21 =	sadd.s32 $0x20, s21;
	s25 =	smov.u32 s20  }
0x38: {  	p0 =	sne.s32 s20, $0x60;
	s20 =	sadd.s32 $0x20, s20;
	[tilespmem:s23+$0x0] =	vst v3;
	s23 =	smov.u32 s22  }
0x39: {  	v3 =	vld [tilespmem:s24+$0xFFFFFF70]  }
0x3a: {  	v4 =	vld [tilespmem:s24+$0xFFFFFFF0];
	_ =	sdelay $0x3  }
0x3b: {  	v3 =	vmul.f32 $3.200000000e+01, v3  }
0x3c: {  	v4 =	vmul.f32 $3.200000000e+01, v4  }
0x3d: {  	v3 =	vadd.f32 $3.200000000e+01, v3  }
0x3e: {  	v4 =	vadd.f32 $3.200000000e+01, v4  }
0x3f: {  	v3 =	vtrunc.f32 v3  }
0x40: {  	v3 =	vcvt.f32.s32 v3;
	v4 =	vtrunc.f32 v4  }
0x41: {  	v4 =	vcvt.f32.s32 v4  }
0x42: {  	vm0 =	vlt.s32 v3, $0x40;
	vm1 =	vlt.s32 v3, $0x3F  }
0x43: {  	vm2 =	vlt.s32 v4, $0x40;
	v3 =	vnsel vm1, $0x3F, v3;
	vm1 =	vlt.s32 v4, $0x3F  }
0x44: {  	v4 =	vnsel vm1, $0x3F, v4;
	v5 =	vshll.u32 v3, $0xA;
	v3 =	vshll.u32 v3, $0x7  }
0x45: {  	v6 =	vadd.s32 s25, v2;
	vm0 =	vmand vm0, vm2;
	v4 =	vshll.u32 v4, $0x10  }
0x46: {  	v5 =	vand.u32 $0xFFFFE000, v5;
	v4 =	vadd.s32 v4, v6  }
0x47: {  	v3 =	vand.u32 $0x380, v3;
	v4 =	vadd.s32 v5, v4  }
0x48: {  	v3 =	vadd.s32 v3, v4  }
0x49: {  	[tilespmem:s21+$0xFFFFFFF0] =	vst v3;
	v3 =	vsel vm0, $0x3F800000, v1  }
0x4a: {  	[tilespmem:s22+$0xFFFFFFF0] =	vst v3  }
0x4b: {  	v3 =	vld [tilespmem:s24+$0x0]  }
0x4c: {  	v4 =	vld [tilespmem:s24+$0xFFFFFF80];
	_ =	sdelay $0x3  }
0x4d: {  	v3 =	vmul.f32 $3.200000000e+01, v3  }
0x4e: {  	v4 =	vmul.f32 $3.200000000e+01, v4  }
0x4f: {  	v3 =	vadd.f32 $3.200000000e+01, v3  }
0x50: {  	v4 =	vadd.f32 $3.200000000e+01, v4  }
0x51: {  	v3 =	vtrunc.f32 v3  }
0x52: {  	v4 =	vtrunc.f32 v4;
	v3 =	vcvt.f32.s32 v3  }
0x53: {  	v4 =	vcvt.f32.s32 v4  }
0x54: {  	vm0 =	vlt.s32 v3, $0x40;
	vm1 =	vlt.s32 v3, $0x3F  }
0x55: {  	s25 =	sadd.s32 $0x10, s25;
	vm2 =	vlt.s32 v4, $0x40;
	vm3 =	vlt.s32 v4, $0x3F;
	v3 =	vnsel vm1, $0x3F, v3  }
.Ltmp1:
0x56: {  	v5 =	vadd.s32 s25, v2;
	v4 =	vnsel vm3, $0x3F, v4;
	v3 =	vshll.u32 v3, $0x10;
	(pc) =	sbr.rel @p0 .LBB2_5-.Ltmp1, $4  }
0x57: {  	v6 =	vshll.u32 v4, $0xA;
	v4 =	vshll.u32 v4, $0x7;
	v3 =	vadd.s32 v3, v5  }
0x58: {  	vm0 =	vmand vm2, vm0;
	v5 =	vand.u32 $0xFFFFE000, v6;
	v4 =	vand.u32 $0x380, v4  }
0x59: {  	v3 =	vadd.s32 v5, v3  }
0x5a: {  	v4 =	vadd.s32 v4, v3;
	v3 =	vsel vm0, $0x3F800000, v1  }
0x5b: {  	s18 =	sadd.s32 $0x1, s18  }
0x5c: {  	p0 =	sne.s32 s18, s5  }
.Ltmp2:
0x5d: {  	_ = 	snop;
	(pc) =	sbr.rel @p0 .LBB2_4-.Ltmp2, $4  }
0x5e: {  	_ = 	snop  }
0x5f: {  	[tilespmem:s21+$0x0] =	vst v4;
	s20 =	sadd.s32 $0x780, s19;
	s31 =	sadd.s32 $0xF00, s19  }
0x60: {  	s15 =	sadd.s32 $0x80, s15;
	s16 =	sadd.s32 $0x100, s16;
	s17 =	sadd.s32 $0x80, s17;
	[tilespmem:s23+$0x0] =	vst v3  }
0x61: {  	[tilespmem:s20], [sflag:$0x2] =	stream.indirect.gather [hbm4b:s1+s10], $0x1, s31, s10, $0xb8;
	[tilespmem:$0x1180] =	vst v63  }
0x62: {  	_ =	swait.ge [sflag:s11], $0x80  }
0x63: {  	[sflag:s11] =	ssyncset.done $0x0  }
0x64: {  	s14 =	simm.s32 $0x7F0;
	[sflag:s11] =	ssyncadd.s32 $0xFFFFFF80  }
0x65: {  	v2 =	vld [tilespmem:s14+$0xFFFFFF90]  }
0x66: {  	v3 =	vld [tilespmem:s14+$0xFFFFFD10];
	_ =	sdelay $0x3  }
0x67: {  	vm0 =	vgt.f32 v2, $4.000000060e-01  }
0x68: {  	s15 =	simm.s32 $0xA00;
	v2 =	vnsel vm0, $0x0, v3  }
0x69: {  	[tilespmem:s15+$0x0] =	vst v2  }
0x6a: {  	[tilespmem:s15+$0x80] =	vst v2  }
0x6b: {  	v2 =	vld [tilespmem:s14+$0xFFFFFFA0]  }
0x6c: {  	v3 =	vld [tilespmem:s14+$0xFFFFFD20];
	_ =	sdelay $0x3  }
0x6d: {  	vm10 =	vgt.f32 v2, $4.000000060e-01  }
0x6e: {  	v2 =	vnsel vm10, $0x0, v3  }
0x6f: {  	[tilespmem:s15+$0x10] =	vst v2  }
0x70: {  	[tilespmem:s15+$0x90] =	vst v2  }
0x71: {  	v2 =	vld [tilespmem:s14+$0xFFFFFFB0]  }
0x72: {  	v3 =	vld [tilespmem:s14+$0xFFFFFD30];
	_ =	sdelay $0x3  }
0x73: {  	vm11 =	vgt.f32 v2, $4.000000060e-01  }
0x74: {  	v2 =	vnsel vm11, $0x0, v3  }
0x75: {  	[tilespmem:s15+$0x20] =	vst v2  }
0x76: {  	[tilespmem:s15+$0xA0] =	vst v2  }
0x77: {  	v2 =	vld [tilespmem:s14+$0xFFFFFFC0]  }
0x78: {  	v3 =	vld [tilespmem:s14+$0xFFFFFD40];
	_ =	sdelay $0x3  }
0x79: {  	vm12 =	vgt.f32 v2, $4.000000060e-01  }
0x7a: {  	v2 =	vnsel vm12, $0x0, v3  }
0x7b: {  	[tilespmem:s15+$0x30] =	vst v2  }
0x7c: {  	[tilespmem:s15+$0xB0] =	vst v2  }
0x7d: {  	v2 =	vld [tilespmem:s14+$0xFFFFFFD0]  }
0x7e: {  	v3 =	vld [tilespmem:s14+$0xFFFFFD50];
	_ =	sdelay $0x3  }
0x7f: {  	vm13 =	vgt.f32 v2, $4.000000060e-01  }
0x80: {  	v2 =	vnsel vm13, $0x0, v3  }
0x81: {  	[tilespmem:s15+$0x40] =	vst v2  }
0x82: {  	[tilespmem:s15+$0xC0] =	vst v2  }
0x83: {  	v2 =	vld [tilespmem:s14+$0xFFFFFFE0]  }
0x84: {  	v3 =	vld [tilespmem:s14+$0xFFFFFD60];
	_ =	sdelay $0x3  }
0x85: {  	vm14 =	vgt.f32 v2, $4.000000060e-01  }
0x86: {  	v2 =	vnsel vm14, $0x0, v3  }
0x87: {  	[tilespmem:s15+$0x50] =	vst v2  }
0x88: {  	[tilespmem:s15+$0xD0] =	vst v2  }
0x89: {  	v2 =	vld [tilespmem:s14+$0xFFFFFFF0]  }
0x8a: {  	v3 =	vld [tilespmem:s14+$0xFFFFFD70];
	_ =	sdelay $0x2  }
0x8b: {  	p0 =	sne.s32 s5, $0x1  }
.Ltmp3:
0x8c: {  	vm15 =	vgt.f32 v2, $4.000000060e-01;
	(pc) =	sbr.rel @!p0 .LBB2_9-.Ltmp3, $4  }
0x8d: {  	v2 =	vnsel vm15, $0x0, v3  }
0x8e: {  	[tilespmem:s15+$0x60] =	vst v2  }
0x8f: {  	s16 =	sadd.s32 $0xFFFFFFFF, s5;
	[tilespmem:s15+$0xE0] =	vst v2  }
0x90: {  	s18 =	smov.u32 s8;
	s19 =	simm.s32 $0xA00;
	s17 =	smov.u32 s8;
	v2 =	vld [tilespmem:s14+$0x0]  }
.LBB2_8:
0x91: {  	v3 =	vld [tilespmem:s14+$0xFFFFFD80];
	s18 =	sadd.s32 $0x20, s18;
	s19 =	sadd.s32 $0x100, s19;
	s14 =	sadd.s32 $0x80, s14  }
0x92: {  	p1 =	sne.s32 s16, $0x1;
	s16 =	sadd.s32 $0xFFFFFFFF, s16;
	_ =	sdelay $0x2  }
0x93: {  	vm0 =	vgt.f32 v2, $4.000000060e-01  }
0x94: {  	v2 =	vnsel vm0, $0x0, v3  }
0x95: {  	[tilespmem:s15+$0x70] =	vst v2  }
0x96: {  	[tilespmem:s15+$0xF0] =	vst v2  }
0x97: {  	[hbm4b:s17+s3] =	stream.linear.scatter [tilespmem:s15], [sflag:$0x3], $0x100, $0x38;
	[tilespmem:$0x1180] =	vst v63  }
0x98: {  	s17 =	smov.u32 s18;
	s15 =	smov.u32 s19;
	_ =	swait.ge [sflag:s11], $0x80  }
0x99: {  	[sflag:s11] =	ssyncset.done $0x0  }
0x9a: {  	[sflag:s11] =	ssyncadd.s32 $0xFFFFFF80  }
0x9b: {  	v2 =	vld [tilespmem:s14+$0xFFFFFF90]  }
0x9c: {  	v3 =	vld [tilespmem:s14+$0xFFFFFD10];
	_ =	sdelay $0x3  }
0x9d: {  	vm0 =	vgt.f32 v2, $4.000000060e-01  }
0x9e: {  	v2 =	vnsel vm0, $0x0, v3  }
0x9f: {  	[tilespmem:s19+$0x0] =	vst v2  }
0xa0: {  	[tilespmem:s19+$0x80] =	vst v2  }
0xa1: {  	v2 =	vld [tilespmem:s14+$0xFFFFFFA0]  }
0xa2: {  	v3 =	vld [tilespmem:s14+$0xFFFFFD20];
	_ =	sdelay $0x3  }
0xa3: {  	vm0 =	vgt.f32 v2, $4.000000060e-01  }
0xa4: {  	v2 =	vnsel vm0, $0x0, v3  }
0xa5: {  	[tilespmem:s19+$0x10] =	vst v2  }
0xa6: {  	[tilespmem:s19+$0x90] =	vst v2  }
0xa7: {  	v2 =	vld [tilespmem:s14+$0xFFFFFFB0]  }
0xa8: {  	v3 =	vld [tilespmem:s14+$0xFFFFFD30];
	_ =	sdelay $0x3  }
0xa9: {  	vm0 =	vgt.f32 v2, $4.000000060e-01  }
0xaa: {  	v2 =	vnsel vm0, $0x0, v3  }
0xab: {  	[tilespmem:s19+$0x20] =	vst v2  }
0xac: {  	[tilespmem:s19+$0xA0] =	vst v2  }
0xad: {  	v2 =	vld [tilespmem:s14+$0xFFFFFFC0]  }
0xae: {  	v3 =	vld [tilespmem:s14+$0xFFFFFD40];
	_ =	sdelay $0x3  }
0xaf: {  	vm0 =	vgt.f32 v2, $4.000000060e-01  }
0xb0: {  	v2 =	vnsel vm0, $0x0, v3  }
0xb1: {  	[tilespmem:s19+$0x30] =	vst v2  }
0xb2: {  	[tilespmem:s19+$0xB0] =	vst v2  }
0xb3: {  	v2 =	vld [tilespmem:s14+$0xFFFFFFD0]  }
0xb4: {  	v3 =	vld [tilespmem:s14+$0xFFFFFD50];
	_ =	sdelay $0x3  }
0xb5: {  	vm0 =	vgt.f32 v2, $4.000000060e-01  }
0xb6: {  	v2 =	vnsel vm0, $0x0, v3  }
0xb7: {  	[tilespmem:s19+$0x40] =	vst v2  }
0xb8: {  	[tilespmem:s19+$0xC0] =	vst v2  }
0xb9: {  	v2 =	vld [tilespmem:s14+$0xFFFFFFE0]  }
0xba: {  	v3 =	vld [tilespmem:s14+$0xFFFFFD60];
	_ =	sdelay $0x3  }
0xbb: {  	vm0 =	vgt.f32 v2, $4.000000060e-01  }
0xbc: {  	v2 =	vnsel vm0, $0x0, v3  }
0xbd: {  	[tilespmem:s19+$0x50] =	vst v2  }
0xbe: {  	[tilespmem:s19+$0xD0] =	vst v2  }
0xbf: {  	v2 =	vld [tilespmem:s14+$0xFFFFFFF0]  }
0xc0: {  	v3 =	vld [tilespmem:s14+$0xFFFFFD70];
	_ =	sdelay $0x3  }
.Ltmp4:
0xc1: {  	vm0 =	vgt.f32 v2, $4.000000060e-01;
	(pc) =	sbr.rel @p1 .LBB2_8-.Ltmp4, $4  }
0xc2: {  	v2 =	vnsel vm0, $0x0, v3  }
0xc3: {  	[tilespmem:s19+$0x60] =	vst v2  }
0xc4: {  	[tilespmem:s19+$0xE0] =	vst v2  }
0xc5: {  	v2 =	vld [tilespmem:s14+$0x0]  }
.LBB2_9:
0xc6: {  	v3 =	vld [tilespmem:s14+$0xFFFFFD80];
	_ =	sdelay $0x3  }
0xc7: {  	vm0 =	vgt.f32 v2, $4.000000060e-01  }
0xc8: {  	v2 =	vnsel vm0, $0x0, v3  }
.Ltmp5:
0xc9: {  	[tilespmem:s15+$0x70] =	vst v2;
	(pc) =	sbr.rel @!p0 .LBB2_11-.Ltmp5, $4  }
0xca: {  	[tilespmem:s15+$0xF0] =	vst v2  }
0xcb: {  	[hbm4b:s17+s3] =	stream.linear.scatter [tilespmem:s15], [sflag:$0x3], $0x100, $0x38;
	[tilespmem:$0x1180] =	vst v63  }
0xcc: {  	_ =	swait.ge [sflag:s12], $0x100  }
0xcd: {  	s14 =	sadd.s32 $0xFFFFFFFF, s5;
	[sflag:s12] =	ssyncset.done $0x0  }
.LBB2_10:
0xce: {  	p0 =	sne.s32 s14, $0x1;
	s14 =	sadd.s32 $0xFFFFFFFF, s14;
	[sflag:s12] =	ssyncadd.s32 $0xFFFFFF00  }
.Ltmp6:
0xcf: {  	(pc) =	sbr.rel @p0 .LBB2_10-.Ltmp6, $3  }
0xd0: {  	_ =	sdelay $0x1  }
0xd1: {  	_ =	swait.ge [sflag:s12], $0x100  }
0xd2: {  	[sflag:s12] =	ssyncset.done $0x0  }
.LBB2_11:
0xd3: {  	s13 =	sadd.s32 $0x1, s13  }
0xd4: {  	p0 =	sne.s32 s13, s6  }
.Ltmp7:
0xd5: {  	_ = 	snop;
	(pc) =	sbr.rel @p0 .LBB2_1-.Ltmp7, $2  }
0xd6: {  	_ =	sdelay $0x2  }
0xd7: {  	[sflag:s12] =	ssyncadd.s32 $0xFFFFFF00  }
0xd8: {  	_ =	sfence.sel $0x180000  }
0xd9: {  	[bflag:$0x0] =	sbarrier.arrive $0xFFFF  }
0xda: {  	p0 =	sne.s32 s2, $0x0;
	_ =	strace $0x90000047  }
0xdb: {  	s0 =	sadd.s32 @!p0 $0x100000, s0;
	[bflag:$0x2] =	sbarrier.arrive $0xFFFF  }
0xdc: {  	[sflag:s0] =	ssyncadd.tile.s32 @!p0 $0x1;
	_ =	shalt  }
.Lfunc_end2:
_tile_overlayer_lowered:
.L_overlay_start_2:
0xdd: {  	(tag) =	ssettag $0x2  }
0xde: {  	s0 =	rddreg [dreg:$0x0];
	s2 =	stileid.u32  }
0xdf: {  	s1 =	rddreg [dreg:$0x1];
	p0 =	sne.s32 s2, $0x0  }
0xe0: {  	s3 =	rddreg [dreg:$0x2];
	[bflag:$0x3] =	sbarrier.arrive $0xFFFF;
	s2 =	simm.s32 @!p0 $0x1C04  }
0xe1: {  	[timem:s3], [sflag:s2] =	dma.local @!p0 [hbm:s0], s1  }
0xe2: {  	s0 =	simm.s32 @!p0 $0x4  }
0xe3: {  	_ =	swait.ge @!p0 [sflag:s0], s1  }
0xe4: {  	s1 =	ssub.s32 @!p0 $0x0, s1;
	[sflag:s0] =	ssyncset.done @!p0 $0x0  }
0xe5: {  	[sflag:s0] =	ssyncadd.s32 @!p0 s1  }
0xe6: {  	[bflag:$0x3] =	sbarrier.arrive $0xFFFF  }
0xe7: {  	_ =	shalt  }

</sc_bundles>
